<compile_context>
chip_gen: v7x
topology: tpu7x:2x2x1
jax: 0.10.2.dev20260603
libtpu: 0.0.44.dev20260713+nightly
codegen_flags: <defaults>
</compile_context>

<pallas_src>
import functools

import jax
import jax.numpy as jnp
from jax import lax
from jax.experimental import pallas as pl
from jax.experimental.pallas import tpu as pltpu
from jax.experimental.pallas import tpu_sc as plsc

L = 2
N = 10000
INP = 128
KEY = 64
VAL = 64

N_PAD = 10240
VW = 128
WW = 8
CHUNK = 128

TC_BLK = 2000
XB = 4000


def _tca_body(x_ref, w_ref, b_ref, smax_ref):
    i = pl.program_id(0)
    y = jnp.dot(x_ref[...], w_ref[...], preferred_element_type=jnp.float32)
    y = y + b_ref[...]
    k = y[:, 0:KEY]
    q = y[:, KEY:2 * KEY]
    s = jnp.sum(k * q, axis=1, keepdims=True)
    m = jnp.max(s)

    @pl.when(i == 0)
    def _():
        smax_ref[0, 0] = m

    @pl.when(i > 0)
    def _():
        smax_ref[0, 0] = jnp.maximum(smax_ref[0, 0], m)


def _tca(x2, w, b):
    g = x2.shape[0] // XB
    return pl.pallas_call(
        _tca_body,
        grid=(g,),
        in_specs=[
            pl.BlockSpec((XB, INP), lambda i: (i, 0)),
            pl.BlockSpec((INP, 2 * KEY), lambda i: (0, 0)),
            pl.BlockSpec((1, 2 * KEY), lambda i: (0, 0)),
        ],
        out_specs=pl.BlockSpec(memory_space=pltpu.SMEM),
        out_shape=jax.ShapeDtypeStruct((1, 1), jnp.float32),
    )(x2, w, b)


def _tcb_body(x0_ref, x1_ref, w_ref, b_ref, smax_ref, tabv_ref, tabw_ref):
    w = w_ref[...]
    b = b_ref[...]
    smax = smax_ref[0, 0]

    def proj(x):
        y = jnp.dot(x, w, preferred_element_type=jnp.float32) + b
        k = y[:, 0:KEY]
        v = y[:, KEY:2 * KEY]
        q = y[:, 2 * KEY:3 * KEY]
        s = jnp.sum(k * q, axis=1, keepdims=True)
        es = jnp.exp(s - smax)
        return v * es, es

    tv0, es0 = proj(x0_ref[...])
    tv1, es1 = proj(x1_ref[...])
    tabv_ref[:, 0:KEY] = tv0
    tabv_ref[:, KEY:2 * KEY] = tv1
    lane = lax.broadcasted_iota(jnp.int32, (TC_BLK, WW), 1)
    esb = (jnp.where(lane == 0, es0, 0.0) + jnp.where(lane == 1, es1, 0.0))
    tabw_ref[...] = esb


def _tcb(x2, w, b, smax):
    g = N // TC_BLK
    return pl.pallas_call(
        _tcb_body,
        grid=(g,),
        in_specs=[
            pl.BlockSpec((TC_BLK, INP), lambda i: (i, 0)),
            pl.BlockSpec((TC_BLK, INP), lambda i: (i + N // TC_BLK, 0)),
            pl.BlockSpec((INP, 3 * KEY), lambda i: (0, 0)),
            pl.BlockSpec((1, 3 * KEY), lambda i: (0, 0)),
            pl.BlockSpec(memory_space=pltpu.SMEM),
        ],
        out_specs=[
            pl.BlockSpec((TC_BLK, VW), lambda i: (i, 0)),
            pl.BlockSpec((TC_BLK, WW), lambda i: (i, 0)),
        ],
        out_shape=[
            jax.ShapeDtypeStruct((N, VW), jnp.float32),
            jax.ShapeDtypeStruct((N, WW), jnp.float32),
        ],
    )(x2, x2, w, b, smax)


NBUF = 2


IDEP = 3


def _sc_body(n_chunks, n_iters, rows_per_sub,
             tabv_hbm, tabw_hbm, row_hbm, col_hbm, zerov_hbm, zerow_hbm,
             accv_hbm, accw_hbm,
             colv, rowv, bufv, bufw, sharedv, sharedw, gsem, isem, ssem):
    c = lax.axis_index("c")
    s = lax.axis_index("s")
    wid = s * 2 + c

    def idx_load(j, b):
        base = pl.multiple_of((j * 32 + wid) * CHUNK, CHUNK)
        pltpu.async_copy(col_hbm.at[pl.ds(base, CHUNK)], colv.at[b], isem)
        pltpu.async_copy(row_hbm.at[pl.ds(base, CHUNK)], rowv.at[b], isem)

    def idx_wait(j, b):
        base = pl.multiple_of((j * 32 + wid) * CHUNK, CHUNK)
        pltpu.make_async_copy(col_hbm.at[pl.ds(base, CHUNK)], colv.at[b],
                              isem).wait()
        pltpu.make_async_copy(row_hbm.at[pl.ds(base, CHUNK)], rowv.at[b],
                              isem).wait()

    def gather(b, ib):
        pltpu.async_copy(tabv_hbm.at[colv.at[ib]], bufv.at[b], gsem)
        pltpu.async_copy(tabw_hbm.at[colv.at[ib]], bufw.at[b], gsem)

    def gather_wait(b, ib):
        pltpu.make_async_copy(tabv_hbm.at[colv.at[ib]], bufv.at[b],
                              gsem).wait()
        pltpu.make_async_copy(tabw_hbm.at[colv.at[ib]], bufw.at[b],
                              gsem).wait()

    def scatter(b, ib):
        pltpu.async_copy(bufv.at[b], sharedv.at[rowv.at[ib]], ssem, add=True)
        pltpu.async_copy(bufw.at[b], sharedw.at[rowv.at[ib]], ssem, add=True)

    def scatter_wait(b, ib):
        pltpu.make_async_copy(bufv.at[b], sharedv.at[rowv.at[ib]],
                              ssem).wait()
        pltpu.make_async_copy(bufw.at[b], sharedw.at[rowv.at[ib]],
                              ssem).wait()

    def valid(j):
        return (j * 32 + wid) < n_chunks

    for b in range(2):
        @pl.when(valid(b))
        def _():
            idx_load(b, b)

    pltpu.sync_copy(zerov_hbm,
                    sharedv.at[pl.ds(s * rows_per_sub, rows_per_sub)])
    pltpu.sync_copy(zerow_hbm,
                    sharedw.at[pl.ds(s * rows_per_sub, rows_per_sub)])
    plsc.subcore_barrier()

    @pl.when(valid(0))
    def _():
        idx_wait(0, 0)
        gather(0, 0)

    def body(i, carry):
        for u in range(2):
            j = i * 2 + u
            bn = (u + 1) % 2
            i0 = j % IDEP
            i1 = (j + 1) % IDEP
            i2 = (j + 2) % IDEP

            @pl.when(valid(j + 1))
            def _():
                idx_wait(j + 1, i1)

            @pl.when((j >= 1) & valid(j - 1))
            def _():
                scatter_wait(bn, (j - 1) % IDEP)

            @pl.when(valid(j + 1))
            def _():
                gather(bn, i1)

            @pl.when(valid(j))
            def _():
                gather_wait(u, i0)
                scatter(u, i0)

            @pl.when(valid(j + 2))
            def _():
                idx_load(j + 2, i2)

        return carry

    lax.fori_loop(0, (n_iters + 2) // 2, body, 0)
    plsc.subcore_barrier()

    pltpu.sync_copy(sharedv.at[pl.ds(s * rows_per_sub, rows_per_sub)],
                    accv_hbm.at[c].at[pl.ds(s * rows_per_sub, rows_per_sub)])
    pltpu.sync_copy(sharedw.at[pl.ds(s * rows_per_sub, rows_per_sub)],
                    accw_hbm.at[c].at[pl.ds(s * rows_per_sub, rows_per_sub)])


def _sc_edges(tabv, tabw, row_indices, col_indices):
    e = row_indices.shape[0]
    n_chunks = e // CHUNK
    n_iters = (n_chunks + 31) // 32
    rows_per_sub = N_PAD // 16
    zerov = jnp.zeros((rows_per_sub, VW), jnp.float32)
    zerow = jnp.zeros((rows_per_sub, WW), jnp.float32)
    mesh = plsc.VectorSubcoreMesh(core_axis_name="c", subcore_axis_name="s")
    kern = pl.kernel(
        functools.partial(_sc_body, n_chunks, n_iters, rows_per_sub),
        out_type=[
            jax.ShapeDtypeStruct((2, N_PAD, VW), jnp.float32),
            jax.ShapeDtypeStruct((2, N_PAD, WW), jnp.float32),
        ],
        mesh=mesh,
        scratch_types=[
            pltpu.VMEM((IDEP, CHUNK), jnp.int32),
            pltpu.VMEM((IDEP, CHUNK), jnp.int32),
            pltpu.VMEM((NBUF, CHUNK, VW), jnp.float32),
            pltpu.VMEM((NBUF, CHUNK, WW), jnp.float32),
            pltpu.VMEM_SHARED((N_PAD, VW), jnp.float32),
            pltpu.VMEM_SHARED((N_PAD, WW), jnp.float32),
            pltpu.SemaphoreType.DMA,
            pltpu.SemaphoreType.DMA,
            pltpu.SemaphoreType.DMA,
        ],
        compiler_params=pltpu.CompilerParams(use_tc_tiling_on_sc=False),
    )
    return kern(tabv, tabw, row_indices, col_indices, zerov, zerow)


def _tcc_body(av0_ref, av1_ref, aw0_ref, aw1_ref, lnw_ref, lnb_ref, out_ref):
    a = av0_ref[0, 0:N] + av1_ref[0, 0:N]
    aw = aw0_ref[0, 0:N] + aw1_ref[0, 0:N]
    lnw = lnw_ref[...]
    lnb = lnb_ref[...]

    def finish(o, ws):
        ws = jnp.where(ws > 0.0, ws, 1.0)
        o = o * (1.0 / ws)
        o = o * jax.nn.sigmoid(o)
        mean = jnp.mean(o, axis=1, keepdims=True)
        d = o - mean
        var = jnp.mean(d * d, axis=1, keepdims=True)
        return d * lax.rsqrt(var + 1e-5) * lnw + lnb

    out_ref[0] = finish(a[:, 0:KEY], aw[:, 0:1]).T
    out_ref[1] = finish(a[:, KEY:2 * KEY], aw[:, 1:2]).T


def _tcc(accv, accw, lnw, lnb):
    return pl.pallas_call(
        _tcc_body,
        grid=(1,),
        in_specs=[
            pl.BlockSpec((1, N_PAD, VW), lambda i: (0, 0, 0)),
            pl.BlockSpec((1, N_PAD, VW), lambda i: (1, 0, 0)),
            pl.BlockSpec((1, N_PAD, WW), lambda i: (0, 0, 0)),
            pl.BlockSpec((1, N_PAD, WW), lambda i: (1, 0, 0)),
            pl.BlockSpec((1, KEY), lambda i: (0, 0)),
            pl.BlockSpec((1, KEY), lambda i: (0, 0)),
        ],
        out_specs=pl.BlockSpec((L, VAL, N), lambda i: (0, 0, 0)),
        out_shape=jax.ShapeDtypeStruct((L, VAL, N), jnp.float32),
    )(accv, accv, accw, accw, lnw, lnb)


def kernel(x, Wk, bk, Wv, bv, Wq, bq, ln_w, ln_b, row_indices, col_indices):
    x2 = x.reshape(L * N, INP)
    w = jnp.concatenate([Wk, Wv, Wq], axis=0).T
    b = jnp.concatenate([bk, bv, bq]).reshape(1, 3 * KEY)
    wkq = jnp.concatenate([Wk, Wq], axis=0).T
    bkq = jnp.concatenate([bk, bq]).reshape(1, 2 * KEY)

    smax = _tca(x2, wkq, bkq)
    tabv, tabw = _tcb(x2, w, b, smax)
    accv, accw = _sc_edges(tabv, tabw, row_indices, col_indices)
    out_t = _tcc(accv, accw, ln_w.reshape(1, VAL), ln_b.reshape(1, VAL))
    out = out_t.transpose(0, 2, 1)
    return (out, row_indices, col_indices)

# --- scband reference (transcript-rebuilt; emitter-appended) ---
"""Pipeline reference for scband-batched-semi-attention-48318382080001 (READ-ONLY COPY).

The authoritative reference and input builder live on the scoring server;
editing this copy changes nothing except your own understanding.
"""

import jax, jax.numpy as jnp
import numpy as np

L = 2
N = 10000
E = 320000
INP = 128
KEY = 64
VAL = 64


def setup_inputs(seed: int = 0) -> dict:
    key = jax.random.key(seed)
    ks = jax.random.split(key, 10)
    x = jax.random.normal(ks[0], (L, N, INP), dtype=jnp.float32)
    row_indices = jnp.sort(jax.random.randint(ks[1], (E,), 0, N))
    col_indices = jax.random.randint(ks[2], (E,), 0, N)
    s = 1.0 / np.sqrt(INP)
    Wk = jax.random.uniform(ks[3], (KEY, INP), minval=-s, maxval=s, dtype=jnp.float32)
    bk = jax.random.uniform(ks[4], (KEY,), minval=-s, maxval=s, dtype=jnp.float32)
    Wv = jax.random.uniform(ks[5], (VAL, INP), minval=-s, maxval=s, dtype=jnp.float32)
    bv = jax.random.uniform(ks[6], (VAL,), minval=-s, maxval=s, dtype=jnp.float32)
    Wq = jax.random.uniform(ks[7], (KEY, INP), minval=-s, maxval=s, dtype=jnp.float32)
    bq = jax.random.uniform(ks[8], (KEY,), minval=-s, maxval=s, dtype=jnp.float32)
    ln_w = jnp.ones((VAL,), dtype=jnp.float32)
    ln_b = jnp.zeros((VAL,), dtype=jnp.float32)
    return {"x": x, "Wk": Wk, "bk": bk, "Wv": Wv, "bv": bv, "Wq": Wq, "bq": bq,
            "ln_w": ln_w, "ln_b": ln_b, "row_indices": row_indices, "col_indices": col_indices}


def reference(x, Wk, bk, Wv, bv, Wq, bq, ln_w, ln_b, row_indices, col_indices):
    keys = jnp.einsum('lni,ki->lnk', x, Wk) + bk
    values = jnp.einsum('lni,vi->lnv', x, Wv) + bv
    queries = jnp.einsum('lni,ki->lnk', x, Wq) + bq
    e = col_indices.shape[0]
    k2 = keys.transpose(1, 0, 2).reshape(N, L * KEY)
    kg = jnp.take(k2, col_indices, axis=0).reshape(e, L, KEY)
    q2 = queries.transpose(1, 0, 2).reshape(N, L * KEY)
    qg = jnp.take(q2, col_indices, axis=0).reshape(e, L, KEY)
    w = jnp.sum(kg * qg, axis=2, keepdims=True)
    wmax = jax.ops.segment_max(w, row_indices, num_segments=N)
    wmax = jnp.where(jnp.isfinite(wmax), wmax, 0.0)
    w = jnp.exp(w - jnp.take(wmax, row_indices, axis=0))
    wsum = jax.ops.segment_sum(w, row_indices, num_segments=N)
    w = w / jnp.take(wsum, row_indices, axis=0)
    v2 = values.transpose(1, 0, 2).reshape(N, L * VAL)
    vg = jnp.take(v2, col_indices, axis=0).reshape(e, L, VAL)
    vg = vg * w
    out = jax.ops.segment_sum(vg, row_indices, num_segments=N)
    out = out.transpose(1, 0, 2)
    out = out * jax.nn.sigmoid(out)
    mean = jnp.mean(out, axis=-1, keepdims=True)
    var = jnp.var(out, axis=-1, keepdims=True)
    out = (out - mean) / jnp.sqrt(var + 1e-5) * ln_w + ln_b
    return (out, row_indices, col_indices)

if __name__ == "__main__":
    import jax
    _d = setup_inputs()
    print(jax.jit(kernel)(*tuple(_d.values())))

</pallas_src>

<mosaic_0001>
#map = affine_map<(d0, d1) -> (0, 0)>
#map1 = affine_map<(d0, d1) -> (0)>
#map2 = affine_map<(d0, d1) -> (0, 0, 0)>
module attributes {stable_mosaic.version = 14 : i64} {
  func.func @_sc_body(%arg0: i32, %arg1: i32, %arg2: memref<10000x128xf32, #tpu.memory_space<hbm>>, %arg3: memref<10000x8xf32, #tpu.memory_space<hbm>>, %arg4: memref<320000xi32, #tpu.memory_space<hbm>>, %arg5: memref<320000xi32, #tpu.memory_space<hbm>>, %arg6: memref<640x128xf32, #tpu.memory_space<hbm>>, %arg7: memref<640x8xf32, #tpu.memory_space<hbm>>, %arg8: memref<2x10240x128xf32, #tpu.memory_space<hbm>>, %arg9: memref<2x10240x8xf32, #tpu.memory_space<hbm>>, %arg10: memref<3x128xi32, #tpu.memory_space<vmem>>, %arg11: memref<3x128xi32, #tpu.memory_space<vmem>>, %arg12: memref<2x128x128xf32, #tpu.memory_space<vmem>>, %arg13: memref<2x128x8xf32, #tpu.memory_space<vmem>>, %arg14: memref<10240x128xf32, #tpu.memory_space<vmem_shared>>, %arg15: memref<10240x8xf32, #tpu.memory_space<vmem_shared>>, %arg16: memref<!tpu.dma_semaphore, #tpu.memory_space<semaphore_mem>>, %arg17: memref<!tpu.dma_semaphore, #tpu.memory_space<semaphore_mem>>, %arg18: memref<!tpu.dma_semaphore, #tpu.memory_space<semaphore_mem>>) attributes {dimension_semantics = [#tpu.dimension_semantics<core_parallel>, #tpu.dimension_semantics<subcore_parallel>], iteration_bounds = array<i64: 2, 16>, scalar_prefetch = 0 : i64, scratch_operands = 9 : i64, tpu.core_type = #tpu.core_type<sc_vector_subcore>, window_params = [{transform_indices = #map}, {transform_indices = #map}, {transform_indices = #map1}, {transform_indices = #map1}, {transform_indices = #map}, {transform_indices = #map}, {transform_indices = #map2}, {transform_indices = #map2}]} {
    %mul3A = arith.constant 2 : i32
    %mul3A_0 = arith.muli %arg1, %mul3A : i32
    %add3A = arith.addi %mul3A_0, %arg0 : i32
    %add3A_1 = arith.constant 0 : i32
    %add3A_2 = arith.addi %add3A_1, %add3A : i32
    %lt3A = arith.constant 2500 : i32
    %lt3A_3 = arith.cmpi slt, %add3A_2, %lt3A : i32
    %convert_element_type3A = arith.extui %lt3A_3 : i1 to i32
    %cond3A = arith.constant 0 : i32
    %cond3A_4 = arith.cmpi ne, %convert_element_type3A, %cond3A : i32
    scf.if %cond3A_4 {
      %add3A_37 = arith.constant 0 : i32
      %add3A_38 = arith.addi %add3A_37, %add3A : i32
      %mul3A_39 = arith.constant 128 : i32
      %mul3A_40 = arith.muli %add3A_38, %mul3A_39 : i32
      %multiple_of3A = tpu.assume_multiple %mul3A_40, 128 : i32
      %dma_start3A = arith.constant 0 : i32
      %dma_start3A_41 = arith.constant 0 : i32
      %dma_start3A_42 = tpu.memref_slice %arg10[%dma_start3A, %dma_start3A_41] : memref<3x128xi32, #tpu.memory_space<vmem>> -> memref<1x128xi32, #tpu.memory_space<vmem>>
      %dma_start3A_43 = tpu.memref_squeeze %dma_start3A_42 : memref<1x128xi32, #tpu.memory_space<vmem>> -> memref<128xi32, #tpu.memory_space<vmem>>
      %dma_start3A_44 = tpu.memref_slice %arg5[%multiple_of3A] : memref<320000xi32, #tpu.memory_space<hbm>> -> memref<128xi32, #tpu.memory_space<hbm>>
      %dma_start3A_45 = arith.constant 0 : i32
      %dma_start3A_46 = tpu.memref_slice %arg10[%dma_start3A, %dma_start3A_45] : memref<3x128xi32, #tpu.memory_space<vmem>> -> memref<1x128xi32, #tpu.memory_space<vmem>>
      %dma_start3A_47 = tpu.memref_squeeze %dma_start3A_46 : memref<1x128xi32, #tpu.memory_space<vmem>> -> memref<128xi32, #tpu.memory_space<vmem>>
      %dma_start3A_48 = tpu.memref_slice %arg5[%multiple_of3A] : memref<320000xi32, #tpu.memory_space<hbm>> -> memref<128xi32, #tpu.memory_space<hbm>>
      tpu.enqueue_dma source(%dma_start3A_48 : memref<128xi32, #tpu.memory_space<hbm>>) target(%dma_start3A_47 : memref<128xi32, #tpu.memory_space<vmem>>) target_semaphore(%arg17 : memref<!tpu.dma_semaphore, #tpu.memory_space<semaphore_mem>>)
      %dma_start3A_49 = arith.constant 0 : i32
      %dma_start3A_50 = arith.constant 0 : i32
      %dma_start3A_51 = tpu.memref_slice %arg11[%dma_start3A_49, %dma_start3A_50] : memref<3x128xi32, #tpu.memory_space<vmem>> -> memref<1x128xi32, #tpu.memory_space<vmem>>
      %dma_start3A_52 = tpu.memref_squeeze %dma_start3A_51 : memref<1x128xi32, #tpu.memory_space<vmem>> -> memref<128xi32, #tpu.memory_space<vmem>>
      %dma_start3A_53 = tpu.memref_slice %arg4[%multiple_of3A] : memref<320000xi32, #tpu.memory_space<hbm>> -> memref<128xi32, #tpu.memory_space<hbm>>
      %dma_start3A_54 = arith.constant 0 : i32
      %dma_start3A_55 = tpu.memref_slice %arg11[%dma_start3A_49, %dma_start3A_54] : memref<3x128xi32, #tpu.memory_space<vmem>> -> memref<1x128xi32, #tpu.memory_space<vmem>>
      %dma_start3A_56 = tpu.memref_squeeze %dma_start3A_55 : memref<1x128xi32, #tpu.memory_space<vmem>> -> memref<128xi32, #tpu.memory_space<vmem>>
      %dma_start3A_57 = tpu.memref_slice %arg4[%multiple_of3A] : memref<320000xi32, #tpu.memory_space<hbm>> -> memref<128xi32, #tpu.memory_space<hbm>>
      tpu.enqueue_dma source(%dma_start3A_57 : memref<128xi32, #tpu.memory_space<hbm>>) target(%dma_start3A_56 : memref<128xi32, #tpu.memory_space<vmem>>) target_semaphore(%arg17 : memref<!tpu.dma_semaphore, #tpu.memory_space<semaphore_mem>>)
    } else {
    }
    %add3A_5 = arith.constant 32 : i32
    %add3A_6 = arith.addi %add3A_5, %add3A : i32
    %lt3A_7 = arith.constant 2500 : i32
    %lt3A_8 = arith.cmpi slt, %add3A_6, %lt3A_7 : i32
    %convert_element_type3A_9 = arith.extui %lt3A_8 : i1 to i32
    %cond3A_10 = arith.constant 0 : i32
    %cond3A_11 = arith.cmpi ne, %convert_element_type3A_9, %cond3A_10 : i32
    scf.if %cond3A_11 {
      %add3A_37 = arith.constant 32 : i32
      %add3A_38 = arith.addi %add3A_37, %add3A : i32
      %mul3A_39 = arith.constant 128 : i32
      %mul3A_40 = arith.muli %add3A_38, %mul3A_39 : i32
      %multiple_of3A = tpu.assume_multiple %mul3A_40, 128 : i32
      %dma_start3A = arith.constant 1 : i32
      %dma_start3A_41 = arith.constant 0 : i32
      %dma_start3A_42 = tpu.memref_slice %arg10[%dma_start3A, %dma_start3A_41] : memref<3x128xi32, #tpu.memory_space<vmem>> -> memref<1x128xi32, #tpu.memory_space<vmem>>
      %dma_start3A_43 = tpu.memref_squeeze %dma_start3A_42 : memref<1x128xi32, #tpu.memory_space<vmem>> -> memref<128xi32, #tpu.memory_space<vmem>>
      %dma_start3A_44 = tpu.memref_slice %arg5[%multiple_of3A] : memref<320000xi32, #tpu.memory_space<hbm>> -> memref<128xi32, #tpu.memory_space<hbm>>
      %dma_start3A_45 = arith.constant 0 : i32
      %dma_start3A_46 = tpu.memref_slice %arg10[%dma_start3A, %dma_start3A_45] : memref<3x128xi32, #tpu.memory_space<vmem>> -> memref<1x128xi32, #tpu.memory_space<vmem>>
      %dma_start3A_47 = tpu.memref_squeeze %dma_start3A_46 : memref<1x128xi32, #tpu.memory_space<vmem>> -> memref<128xi32, #tpu.memory_space<vmem>>
      %dma_start3A_48 = tpu.memref_slice %arg5[%multiple_of3A] : memref<320000xi32, #tpu.memory_space<hbm>> -> memref<128xi32, #tpu.memory_space<hbm>>
      tpu.enqueue_dma source(%dma_start3A_48 : memref<128xi32, #tpu.memory_space<hbm>>) target(%dma_start3A_47 : memref<128xi32, #tpu.memory_space<vmem>>) target_semaphore(%arg17 : memref<!tpu.dma_semaphore, #tpu.memory_space<semaphore_mem>>)
      %dma_start3A_49 = arith.constant 1 : i32
      %dma_start3A_50 = arith.constant 0 : i32
      %dma_start3A_51 = tpu.memref_slice %arg11[%dma_start3A_49, %dma_start3A_50] : memref<3x128xi32, #tpu.memory_space<vmem>> -> memref<1x128xi32, #tpu.memory_space<vmem>>
      %dma_start3A_52 = tpu.memref_squeeze %dma_start3A_51 : memref<1x128xi32, #tpu.memory_space<vmem>> -> memref<128xi32, #tpu.memory_space<vmem>>
      %dma_start3A_53 = tpu.memref_slice %arg4[%multiple_of3A] : memref<320000xi32, #tpu.memory_space<hbm>> -> memref<128xi32, #tpu.memory_space<hbm>>
      %dma_start3A_54 = arith.constant 0 : i32
      %dma_start3A_55 = tpu.memref_slice %arg11[%dma_start3A_49, %dma_start3A_54] : memref<3x128xi32, #tpu.memory_space<vmem>> -> memref<1x128xi32, #tpu.memory_space<vmem>>
      %dma_start3A_56 = tpu.memref_squeeze %dma_start3A_55 : memref<1x128xi32, #tpu.memory_space<vmem>> -> memref<128xi32, #tpu.memory_space<vmem>>
      %dma_start3A_57 = tpu.memref_slice %arg4[%multiple_of3A] : memref<320000xi32, #tpu.memory_space<hbm>> -> memref<128xi32, #tpu.memory_space<hbm>>
      tpu.enqueue_dma source(%dma_start3A_57 : memref<128xi32, #tpu.memory_space<hbm>>) target(%dma_start3A_56 : memref<128xi32, #tpu.memory_space<vmem>>) target_semaphore(%arg17 : memref<!tpu.dma_semaphore, #tpu.memory_space<semaphore_mem>>)
    } else {
    }
    %mul3A_12 = arith.constant 640 : i32
    %mul3A_13 = arith.muli %arg1, %mul3A_12 : i32
    "tpu.region"() ({
      %run_scoped3A = tpu.sem_alloc : memref<!tpu.dma_semaphore, #tpu.memory_space<semaphore_mem>>
      %dma_start3A = arith.constant 0 : i32
      %dma_start3A_37 = tpu.memref_slice %arg14[%mul3A_13, %dma_start3A] : memref<10240x128xf32, #tpu.memory_space<vmem_shared>> -> memref<640x128xf32, #tpu.memory_space<vmem_shared>>
      tpu.enqueue_dma source(%arg6 : memref<640x128xf32, #tpu.memory_space<hbm>>) target(%dma_start3A_37 : memref<640x128xf32, #tpu.memory_space<vmem_shared>>) target_semaphore(%run_scoped3A : memref<!tpu.dma_semaphore, #tpu.memory_space<semaphore_mem>>)
      %dma_wait3A = arith.constant 0 : i32
      %dma_wait3A_38 = tpu.memref_slice %arg14[%mul3A_13, %dma_wait3A] : memref<10240x128xf32, #tpu.memory_space<vmem_shared>> -> memref<640x128xf32, #tpu.memory_space<vmem_shared>>
      tpu.wait_dma2 semaphore(%run_scoped3A : memref<!tpu.dma_semaphore, #tpu.memory_space<semaphore_mem>>) src(%arg6 : memref<640x128xf32, #tpu.memory_space<hbm>>) dst(%dma_wait3A_38 : memref<640x128xf32, #tpu.memory_space<vmem_shared>>)
      tpu.yield
    }) : () -> ()
    %mul3A_14 = arith.constant 640 : i32
    %mul3A_15 = arith.muli %arg1, %mul3A_14 : i32
    "tpu.region"() ({
      %run_scoped3A = tpu.sem_alloc : memref<!tpu.dma_semaphore, #tpu.memory_space<semaphore_mem>>
      %dma_start3A = arith.constant 0 : i32
      %dma_start3A_37 = tpu.memref_slice %arg15[%mul3A_15, %dma_start3A] : memref<10240x8xf32, #tpu.memory_space<vmem_shared>> -> memref<640x8xf32, #tpu.memory_space<vmem_shared>>
      tpu.enqueue_dma source(%arg7 : memref<640x8xf32, #tpu.memory_space<hbm>>) target(%dma_start3A_37 : memref<640x8xf32, #tpu.memory_space<vmem_shared>>) target_semaphore(%run_scoped3A : memref<!tpu.dma_semaphore, #tpu.memory_space<semaphore_mem>>)
      %dma_wait3A = arith.constant 0 : i32
      %dma_wait3A_38 = tpu.memref_slice %arg15[%mul3A_15, %dma_wait3A] : memref<10240x8xf32, #tpu.memory_space<vmem_shared>> -> memref<640x8xf32, #tpu.memory_space<vmem_shared>>
      tpu.wait_dma2 semaphore(%run_scoped3A : memref<!tpu.dma_semaphore, #tpu.memory_space<semaphore_mem>>) src(%arg7 : memref<640x8xf32, #tpu.memory_space<hbm>>) dst(%dma_wait3A_38 : memref<640x8xf32, #tpu.memory_space<vmem_shared>>)
      tpu.yield
    }) : () -> ()
    %barrier3A = arith.constant 0 : index
    tpu.barrier barrier_id(%barrier3A)
    %add3A_16 = arith.constant 0 : i32
    %add3A_17 = arith.addi %add3A_16, %add3A : i32
    %lt3A_18 = arith.constant 2500 : i32
    %lt3A_19 = arith.cmpi slt, %add3A_17, %lt3A_18 : i32
    %convert_element_type3A_20 = arith.extui %lt3A_19 : i1 to i32
    %cond3A_21 = arith.constant 0 : i32
    %cond3A_22 = arith.cmpi ne, %convert_element_type3A_20, %cond3A_21 : i32
    scf.if %cond3A_22 {
      %add3A_37 = arith.constant 0 : i32
      %add3A_38 = arith.addi %add3A_37, %add3A : i32
      %mul3A_39 = arith.constant 128 : i32
      %mul3A_40 = arith.muli %add3A_38, %mul3A_39 : i32
      %multiple_of3A = tpu.assume_multiple %mul3A_40, 128 : i32
      %dma_wait3A = arith.constant 0 : i32
      %dma_wait3A_41 = arith.constant 0 : i32
      %dma_wait3A_42 = tpu.memref_slice %arg10[%dma_wait3A, %dma_wait3A_41] : memref<3x128xi32, #tpu.memory_space<vmem>> -> memref<1x128xi32, #tpu.memory_space<vmem>>
      %dma_wait3A_43 = tpu.memref_squeeze %dma_wait3A_42 : memref<1x128xi32, #tpu.memory_space<vmem>> -> memref<128xi32, #tpu.memory_space<vmem>>
      %dma_wait3A_44 = tpu.memref_slice %arg5[%multiple_of3A] : memref<320000xi32, #tpu.memory_space<hbm>> -> memref<128xi32, #tpu.memory_space<hbm>>
      %dma_wait3A_45 = arith.constant 0 : i32
      %dma_wait3A_46 = tpu.memref_slice %arg10[%dma_wait3A, %dma_wait3A_45] : memref<3x128xi32, #tpu.memory_space<vmem>> -> memref<1x128xi32, #tpu.memory_space<vmem>>
      %dma_wait3A_47 = tpu.memref_squeeze %dma_wait3A_46 : memref<1x128xi32, #tpu.memory_space<vmem>> -> memref<128xi32, #tpu.memory_space<vmem>>
      %dma_wait3A_48 = tpu.memref_slice %arg5[%multiple_of3A] : memref<320000xi32, #tpu.memory_space<hbm>> -> memref<128xi32, #tpu.memory_space<hbm>>
      tpu.wait_dma2 semaphore(%arg17 : memref<!tpu.dma_semaphore, #tpu.memory_space<semaphore_mem>>) src(%dma_wait3A_48 : memref<128xi32, #tpu.memory_space<hbm>>) dst(%dma_wait3A_47 : memref<128xi32, #tpu.memory_space<vmem>>)
      %dma_wait3A_49 = arith.constant 0 : i32
      %dma_wait3A_50 = arith.constant 0 : i32
      %dma_wait3A_51 = tpu.memref_slice %arg11[%dma_wait3A_49, %dma_wait3A_50] : memref<3x128xi32, #tpu.memory_space<vmem>> -> memref<1x128xi32, #tpu.memory_space<vmem>>
      %dma_wait3A_52 = tpu.memref_squeeze %dma_wait3A_51 : memref<1x128xi32, #tpu.memory_space<vmem>> -> memref<128xi32, #tpu.memory_space<vmem>>
      %dma_wait3A_53 = tpu.memref_slice %arg4[%multiple_of3A] : memref<320000xi32, #tpu.memory_space<hbm>> -> memref<128xi32, #tpu.memory_space<hbm>>
      %dma_wait3A_54 = arith.constant 0 : i32
      %dma_wait3A_55 = tpu.memref_slice %arg11[%dma_wait3A_49, %dma_wait3A_54] : memref<3x128xi32, #tpu.memory_space<vmem>> -> memref<1x128xi32, #tpu.memory_space<vmem>>
      %dma_wait3A_56 = tpu.memref_squeeze %dma_wait3A_55 : memref<1x128xi32, #tpu.memory_space<vmem>> -> memref<128xi32, #tpu.memory_space<vmem>>
      %dma_wait3A_57 = tpu.memref_slice %arg4[%multiple_of3A] : memref<320000xi32, #tpu.memory_space<hbm>> -> memref<128xi32, #tpu.memory_space<hbm>>
      tpu.wait_dma2 semaphore(%arg17 : memref<!tpu.dma_semaphore, #tpu.memory_space<semaphore_mem>>) src(%dma_wait3A_57 : memref<128xi32, #tpu.memory_space<hbm>>) dst(%dma_wait3A_56 : memref<128xi32, #tpu.memory_space<vmem>>)
      %dma_start3A = arith.constant 0 : i32
      %dma_start3A_58 = arith.constant 0 : i32
      %dma_start3A_59 = arith.constant 0 : i32
      %dma_start3A_60 = arith.constant 0 : i32
      %dma_start3A_61 = tpu.memref_slice %arg12[%dma_start3A_58, %dma_start3A_59, %dma_start3A_60] : memref<2x128x128xf32, #tpu.memory_space<vmem>> -> memref<1x128x128xf32, #tpu.memory_space<vmem>>
      %dma_start3A_62 = tpu.memref_squeeze %dma_start3A_61 : memref<1x128x128xf32, #tpu.memory_space<vmem>> -> memref<128x128xf32, #tpu.memory_space<vmem>>
      %dma_start3A_63 = arith.constant 0 : i32
      %dma_start3A_64 = tpu.memref_slice %arg10[%dma_start3A, %dma_start3A_63] : memref<3x128xi32, #tpu.memory_space<vmem>> -> memref<1x128xi32, #tpu.memory_space<vmem>>
      %dma_start3A_65 = tpu.memref_squeeze %dma_start3A_64 : memref<1x128xi32, #tpu.memory_space<vmem>> -> memref<128xi32, #tpu.memory_space<vmem>>
      %dma_start3A_66 = arith.constant 0 : i32
      %dma_start3A_67 = arith.constant 0 : i32
      %dma_start3A_68 = tpu.memref_slice %arg2[%dma_start3A_66, %dma_start3A_67] : memref<10000x128xf32, #tpu.memory_space<hbm>> -> memref<10000x128xf32, #tpu.memory_space<hbm>>
      tpu.enqueue_indirect_dma source(%dma_start3A_68 : memref<10000x128xf32, #tpu.memory_space<hbm>>) target(%dma_start3A_62 : memref<128x128xf32, #tpu.memory_space<vmem>>) offsets(%dma_start3A_65 : memref<128xi32, #tpu.memory_space<vmem>>) semaphore(%arg16 : memref<!tpu.dma_semaphore, #tpu.memory_space<semaphore_mem>>)
      %dma_start3A_69 = arith.constant 0 : i32
      %dma_start3A_70 = arith.constant 0 : i32
      %dma_start3A_71 = arith.constant 0 : i32
      %dma_start3A_72 = arith.constant 0 : i32
      %dma_start3A_73 = tpu.memref_slice %arg13[%dma_start3A_70, %dma_start3A_71, %dma_start3A_72] : memref<2x128x8xf32, #tpu.memory_space<vmem>> -> memref<1x128x8xf32, #tpu.memory_space<vmem>>
      %dma_start3A_74 = tpu.memref_squeeze %dma_start3A_73 : memref<1x128x8xf32, #tpu.memory_space<vmem>> -> memref<128x8xf32, #tpu.memory_space<vmem>>
      %dma_start3A_75 = arith.constant 0 : i32
      %dma_start3A_76 = tpu.memref_slice %arg10[%dma_start3A_69, %dma_start3A_75] : memref<3x128xi32, #tpu.memory_space<vmem>> -> memref<1x128xi32, #tpu.memory_space<vmem>>
      %dma_start3A_77 = tpu.memref_squeeze %dma_start3A_76 : memref<1x128xi32, #tpu.memory_space<vmem>> -> memref<128xi32, #tpu.memory_space<vmem>>
      %dma_start3A_78 = arith.constant 0 : i32
      %dma_start3A_79 = arith.constant 0 : i32
      %dma_start3A_80 = tpu.memref_slice %arg3[%dma_start3A_78, %dma_start3A_79] : memref<10000x8xf32, #tpu.memory_space<hbm>> -> memref<10000x8xf32, #tpu.memory_space<hbm>>
      tpu.enqueue_indirect_dma source(%dma_start3A_80 : memref<10000x8xf32, #tpu.memory_space<hbm>>) target(%dma_start3A_74 : memref<128x8xf32, #tpu.memory_space<vmem>>) offsets(%dma_start3A_77 : memref<128xi32, #tpu.memory_space<vmem>>) semaphore(%arg16 : memref<!tpu.dma_semaphore, #tpu.memory_space<semaphore_mem>>)
    } else {
    }
    %scan3A = arith.constant 0 : i32
    %scan3A_23 = arith.constant 0 : i32
    %scan3A_24 = arith.constant 40 : i32
    %scan3A_25 = arith.addi %scan3A_23, %scan3A_24 : i32
    %scan3A_26 = arith.constant 1 : i32
    scf.for %scan3A_37 = %scan3A_23 to %scan3A_25 step %scan3A_26  : i32 {
      %mul3A_38 = arith.constant 2 : i32
      %mul3A_39 = arith.muli %scan3A_37, %mul3A_38 : i32
      %add3A_40 = arith.constant 0 : i32
      %add3A_41 = arith.addi %mul3A_39, %add3A_40 : i32
      %jit3A = arith.constant 3 : i32
      %eq3A = arith.constant 0 : i32
      %eq3A_42 = arith.cmpi eq, %jit3A, %eq3A : i32
      %jit3A_43 = arith.constant 1 : i32
      %select_n3A = arith.select %eq3A_42, %jit3A_43, %jit3A : i32
      %rem3A = arith.remsi %add3A_41, %select_n3A : i32
      %ne3A = arith.constant 0 : i32
      %ne3A_44 = arith.cmpi ne, %rem3A, %ne3A : i32
      %lt3A_45 = arith.constant 0 : i32
      %lt3A_46 = arith.cmpi slt, %rem3A, %lt3A_45 : i32
      %lt3A_47 = arith.constant 0 : i32
      %lt3A_48 = arith.cmpi slt, %select_n3A, %lt3A_47 : i32
      %ne3A_49 = arith.xori %lt3A_46, %lt3A_48 : i1
      %and3A = arith.andi %ne3A_49, %ne3A_44 : i1
      %add3A_50 = arith.addi %rem3A, %select_n3A : i32
      %select_n3A_51 = arith.select %and3A, %add3A_50, %rem3A : i32
      %add3A_52 = arith.constant 1 : i32
      %add3A_53 = arith.addi %add3A_41, %add3A_52 : i32
      %jit3A_54 = arith.constant 3 : i32
      %eq3A_55 = arith.constant 0 : i32
      %eq3A_56 = arith.cmpi eq, %jit3A_54, %eq3A_55 : i32
      %jit3A_57 = arith.constant 1 : i32
      %select_n3A_58 = arith.select %eq3A_56, %jit3A_57, %jit3A_54 : i32
      %rem3A_59 = arith.remsi %add3A_53, %select_n3A_58 : i32
      %ne3A_60 = arith.constant 0 : i32
      %ne3A_61 = arith.cmpi ne, %rem3A_59, %ne3A_60 : i32
      %lt3A_62 = arith.constant 0 : i32
      %lt3A_63 = arith.cmpi slt, %rem3A_59, %lt3A_62 : i32
      %lt3A_64 = arith.constant 0 : i32
      %lt3A_65 = arith.cmpi slt, %select_n3A_58, %lt3A_64 : i32
      %ne3A_66 = arith.xori %lt3A_63, %lt3A_65 : i1
      %and3A_67 = arith.andi %ne3A_66, %ne3A_61 : i1
      %add3A_68 = arith.addi %rem3A_59, %select_n3A_58 : i32
      %select_n3A_69 = arith.select %and3A_67, %add3A_68, %rem3A_59 : i32
      %add3A_70 = arith.constant 2 : i32
      %add3A_71 = arith.addi %add3A_41, %add3A_70 : i32
      %jit3A_72 = arith.constant 3 : i32
      %eq3A_73 = arith.constant 0 : i32
      %eq3A_74 = arith.cmpi eq, %jit3A_72, %eq3A_73 : i32
      %jit3A_75 = arith.constant 1 : i32
      %select_n3A_76 = arith.select %eq3A_74, %jit3A_75, %jit3A_72 : i32
      %rem3A_77 = arith.remsi %add3A_71, %select_n3A_76 : i32
      %ne3A_78 = arith.constant 0 : i32
      %ne3A_79 = arith.cmpi ne, %rem3A_77, %ne3A_78 : i32
      %lt3A_80 = arith.constant 0 : i32
      %lt3A_81 = arith.cmpi slt, %rem3A_77, %lt3A_80 : i32
      %lt3A_82 = arith.constant 0 : i32
      %lt3A_83 = arith.cmpi slt, %select_n3A_76, %lt3A_82 : i32
      %ne3A_84 = arith.xori %lt3A_81, %lt3A_83 : i1
      %and3A_85 = arith.andi %ne3A_84, %ne3A_79 : i1
      %add3A_86 = arith.addi %rem3A_77, %select_n3A_76 : i32
      %select_n3A_87 = arith.select %and3A_85, %add3A_86, %rem3A_77 : i32
      %add3A_88 = arith.constant 1 : i32
      %add3A_89 = arith.addi %add3A_41, %add3A_88 : i32
      %mul3A_90 = arith.constant 32 : i32
      %mul3A_91 = arith.muli %add3A_89, %mul3A_90 : i32
      %add3A_92 = arith.addi %mul3A_91, %add3A : i32
      %lt3A_93 = arith.constant 2500 : i32
      %lt3A_94 = arith.cmpi slt, %add3A_92, %lt3A_93 : i32
      %convert_element_type3A_95 = arith.extui %lt3A_94 : i1 to i32
      %cond3A_96 = arith.constant 0 : i32
      %cond3A_97 = arith.cmpi ne, %convert_element_type3A_95, %cond3A_96 : i32
      scf.if %cond3A_97 {
        %add3A_244 = arith.constant 1 : i32
        %add3A_245 = arith.addi %add3A_41, %add3A_244 : i32
        %mul3A_246 = arith.constant 32 : i32
        %mul3A_247 = arith.muli %add3A_245, %mul3A_246 : i32
        %add3A_248 = arith.addi %mul3A_247, %add3A : i32
        %mul3A_249 = arith.constant 128 : i32
        %mul3A_250 = arith.muli %add3A_248, %mul3A_249 : i32
        %multiple_of3A = tpu.assume_multiple %mul3A_250, 128 : i32
        %dma_wait3A = arith.constant 0 : i32
        %dma_wait3A_251 = tpu.memref_slice %arg10[%select_n3A_69, %dma_wait3A] : memref<3x128xi32, #tpu.memory_space<vmem>> -> memref<1x128xi32, #tpu.memory_space<vmem>>
        %dma_wait3A_252 = tpu.memref_squeeze %dma_wait3A_251 : memref<1x128xi32, #tpu.memory_space<vmem>> -> memref<128xi32, #tpu.memory_space<vmem>>
        %dma_wait3A_253 = tpu.memref_slice %arg5[%multiple_of3A] : memref<320000xi32, #tpu.memory_space<hbm>> -> memref<128xi32, #tpu.memory_space<hbm>>
        %dma_wait3A_254 = arith.constant 0 : i32
        %dma_wait3A_255 = tpu.memref_slice %arg10[%select_n3A_69, %dma_wait3A_254] : memref<3x128xi32, #tpu.memory_space<vmem>> -> memref<1x128xi32, #tpu.memory_space<vmem>>
        %dma_wait3A_256 = tpu.memref_squeeze %dma_wait3A_255 : memref<1x128xi32, #tpu.memory_space<vmem>> -> memref<128xi32, #tpu.memory_space<vmem>>
        %dma_wait3A_257 = tpu.memref_slice %arg5[%multiple_of3A] : memref<320000xi32, #tpu.memory_space<hbm>> -> memref<128xi32, #tpu.memory_space<hbm>>
        tpu.wait_dma2 semaphore(%arg17 : memref<!tpu.dma_semaphore, #tpu.memory_space<semaphore_mem>>) src(%dma_wait3A_257 : memref<128xi32, #tpu.memory_space<hbm>>) dst(%dma_wait3A_256 : memref<128xi32, #tpu.memory_space<vmem>>)
        %dma_wait3A_258 = arith.constant 0 : i32
        %dma_wait3A_259 = tpu.memref_slice %arg11[%select_n3A_69, %dma_wait3A_258] : memref<3x128xi32, #tpu.memory_space<vmem>> -> memref<1x128xi32, #tpu.memory_space<vmem>>
        %dma_wait3A_260 = tpu.memref_squeeze %dma_wait3A_259 : memref<1x128xi32, #tpu.memory_space<vmem>> -> memref<128xi32, #tpu.memory_space<vmem>>
        %dma_wait3A_261 = tpu.memref_slice %arg4[%multiple_of3A] : memref<320000xi32, #tpu.memory_space<hbm>> -> memref<128xi32, #tpu.memory_space<hbm>>
        %dma_wait3A_262 = arith.constant 0 : i32
        %dma_wait3A_263 = tpu.memref_slice %arg11[%select_n3A_69, %dma_wait3A_262] : memref<3x128xi32, #tpu.memory_space<vmem>> -> memref<1x128xi32, #tpu.memory_space<vmem>>
        %dma_wait3A_264 = tpu.memref_squeeze %dma_wait3A_263 : memref<1x128xi32, #tpu.memory_space<vmem>> -> memref<128xi32, #tpu.memory_space<vmem>>
        %dma_wait3A_265 = tpu.memref_slice %arg4[%multiple_of3A] : memref<320000xi32, #tpu.memory_space<hbm>> -> memref<128xi32, #tpu.memory_space<hbm>>
        tpu.wait_dma2 semaphore(%arg17 : memref<!tpu.dma_semaphore, #tpu.memory_space<semaphore_mem>>) src(%dma_wait3A_265 : memref<128xi32, #tpu.memory_space<hbm>>) dst(%dma_wait3A_264 : memref<128xi32, #tpu.memory_space<vmem>>)
      } else {
      }
      %ge3A = arith.constant 1 : i32
      %ge3A_98 = arith.cmpi sge, %add3A_41, %ge3A : i32
      %sub3A = arith.constant 1 : i32
      %sub3A_99 = arith.subi %add3A_41, %sub3A : i32
      %mul3A_100 = arith.constant 32 : i32
      %mul3A_101 = arith.muli %sub3A_99, %mul3A_100 : i32
      %add3A_102 = arith.addi %mul3A_101, %add3A : i32
      %lt3A_103 = arith.constant 2500 : i32
      %lt3A_104 = arith.cmpi slt, %add3A_102, %lt3A_103 : i32
      %and3A_105 = arith.andi %ge3A_98, %lt3A_104 : i1
      %convert_element_type3A_106 = arith.extui %and3A_105 : i1 to i32
      %cond3A_107 = arith.constant 0 : i32
      %cond3A_108 = arith.cmpi ne, %convert_element_type3A_106, %cond3A_107 : i32
      scf.if %cond3A_108 {
        %sub3A_244 = arith.constant 1 : i32
        %sub3A_245 = arith.subi %add3A_41, %sub3A_244 : i32
        %jit3A_246 = arith.constant 3 : i32
        %eq3A_247 = arith.constant 0 : i32
        %eq3A_248 = arith.cmpi eq, %jit3A_246, %eq3A_247 : i32
        %jit3A_249 = arith.constant 1 : i32
        %select_n3A_250 = arith.select %eq3A_248, %jit3A_249, %jit3A_246 : i32
        %rem3A_251 = arith.remsi %sub3A_245, %select_n3A_250 : i32
        %ne3A_252 = arith.constant 0 : i32
        %ne3A_253 = arith.cmpi ne, %rem3A_251, %ne3A_252 : i32
        %lt3A_254 = arith.constant 0 : i32
        %lt3A_255 = arith.cmpi slt, %rem3A_251, %lt3A_254 : i32
        %lt3A_256 = arith.constant 0 : i32
        %lt3A_257 = arith.cmpi slt, %select_n3A_250, %lt3A_256 : i32
        %ne3A_258 = arith.xori %lt3A_255, %lt3A_257 : i1
        %and3A_259 = arith.andi %ne3A_258, %ne3A_253 : i1
        %add3A_260 = arith.addi %rem3A_251, %select_n3A_250 : i32
        %select_n3A_261 = arith.select %and3A_259, %add3A_260, %rem3A_251 : i32
        %dma_wait3A = arith.constant 1 : i32
        %dma_wait3A_262 = arith.constant 0 : i32
        %dma_wait3A_263 = arith.constant 0 : i32
        %dma_wait3A_264 = tpu.memref_slice %arg12[%dma_wait3A, %dma_wait3A_262, %dma_wait3A_263] : memref<2x128x128xf32, #tpu.memory_space<vmem>> -> memref<1x128x128xf32, #tpu.memory_space<vmem>>
        %dma_wait3A_265 = tpu.memref_squeeze %dma_wait3A_264 : memref<1x128x128xf32, #tpu.memory_space<vmem>> -> memref<128x128xf32, #tpu.memory_space<vmem>>
        %dma_wait3A_266 = arith.constant 0 : i32
        %dma_wait3A_267 = tpu.memref_slice %arg11[%select_n3A_261, %dma_wait3A_266] : memref<3x128xi32, #tpu.memory_space<vmem>> -> memref<1x128xi32, #tpu.memory_space<vmem>>
        %dma_wait3A_268 = tpu.memref_squeeze %dma_wait3A_267 : memref<1x128xi32, #tpu.memory_space<vmem>> -> memref<128xi32, #tpu.memory_space<vmem>>
        %dma_wait3A_269 = arith.constant 0 : i32
        %dma_wait3A_270 = arith.constant 0 : i32
        %dma_wait3A_271 = tpu.memref_slice %arg14[%dma_wait3A_269, %dma_wait3A_270] : memref<10240x128xf32, #tpu.memory_space<vmem_shared>> -> memref<10240x128xf32, #tpu.memory_space<vmem_shared>>
        tpu.wait_indirect_dma semaphore(%arg18 : memref<!tpu.dma_semaphore, #tpu.memory_space<semaphore_mem>>) src(%dma_wait3A_265 : memref<128x128xf32, #tpu.memory_space<vmem>>) dst(%dma_wait3A_271 : memref<10240x128xf32, #tpu.memory_space<vmem_shared>>)
        %dma_wait3A_272 = arith.constant 1 : i32
        %dma_wait3A_273 = arith.constant 0 : i32
        %dma_wait3A_274 = arith.constant 0 : i32
        %dma_wait3A_275 = tpu.memref_slice %arg13[%dma_wait3A_272, %dma_wait3A_273, %dma_wait3A_274] : memref<2x128x8xf32, #tpu.memory_space<vmem>> -> memref<1x128x8xf32, #tpu.memory_space<vmem>>
        %dma_wait3A_276 = tpu.memref_squeeze %dma_wait3A_275 : memref<1x128x8xf32, #tpu.memory_space<vmem>> -> memref<128x8xf32, #tpu.memory_space<vmem>>
        %dma_wait3A_277 = arith.constant 0 : i32
        %dma_wait3A_278 = tpu.memref_slice %arg11[%select_n3A_261, %dma_wait3A_277] : memref<3x128xi32, #tpu.memory_space<vmem>> -> memref<1x128xi32, #tpu.memory_space<vmem>>
        %dma_wait3A_279 = tpu.memref_squeeze %dma_wait3A_278 : memref<1x128xi32, #tpu.memory_space<vmem>> -> memref<128xi32, #tpu.memory_space<vmem>>
        %dma_wait3A_280 = arith.constant 0 : i32
        %dma_wait3A_281 = arith.constant 0 : i32
        %dma_wait3A_282 = tpu.memref_slice %arg15[%dma_wait3A_280, %dma_wait3A_281] : memref<10240x8xf32, #tpu.memory_space<vmem_shared>> -> memref<10240x8xf32, #tpu.memory_space<vmem_shared>>
        tpu.wait_indirect_dma semaphore(%arg18 : memref<!tpu.dma_semaphore, #tpu.memory_space<semaphore_mem>>) src(%dma_wait3A_276 : memref<128x8xf32, #tpu.memory_space<vmem>>) dst(%dma_wait3A_282 : memref<10240x8xf32, #tpu.memory_space<vmem_shared>>)
      } else {
      }
      %add3A_109 = arith.constant 1 : i32
      %add3A_110 = arith.addi %add3A_41, %add3A_109 : i32
      %mul3A_111 = arith.constant 32 : i32
      %mul3A_112 = arith.muli %add3A_110, %mul3A_111 : i32
      %add3A_113 = arith.addi %mul3A_112, %add3A : i32
      %lt3A_114 = arith.constant 2500 : i32
      %lt3A_115 = arith.cmpi slt, %add3A_113, %lt3A_114 : i32
      %convert_element_type3A_116 = arith.extui %lt3A_115 : i1 to i32
      %cond3A_117 = arith.constant 0 : i32
      %cond3A_118 = arith.cmpi ne, %convert_element_type3A_116, %cond3A_117 : i32
      scf.if %cond3A_118 {
        %dma_start3A = arith.constant 1 : i32
        %dma_start3A_244 = arith.constant 0 : i32
        %dma_start3A_245 = arith.constant 0 : i32
        %dma_start3A_246 = tpu.memref_slice %arg12[%dma_start3A, %dma_start3A_244, %dma_start3A_245] : memref<2x128x128xf32, #tpu.memory_space<vmem>> -> memref<1x128x128xf32, #tpu.memory_space<vmem>>
        %dma_start3A_247 = tpu.memref_squeeze %dma_start3A_246 : memref<1x128x128xf32, #tpu.memory_space<vmem>> -> memref<128x128xf32, #tpu.memory_space<vmem>>
        %dma_start3A_248 = arith.constant 0 : i32
        %dma_start3A_249 = tpu.memref_slice %arg10[%select_n3A_69, %dma_start3A_248] : memref<3x128xi32, #tpu.memory_space<vmem>> -> memref<1x128xi32, #tpu.memory_space<vmem>>
        %dma_start3A_250 = tpu.memref_squeeze %dma_start3A_249 : memref<1x128xi32, #tpu.memory_space<vmem>> -> memref<128xi32, #tpu.memory_space<vmem>>
        %dma_start3A_251 = arith.constant 0 : i32
        %dma_start3A_252 = arith.constant 0 : i32
        %dma_start3A_253 = tpu.memref_slice %arg2[%dma_start3A_251, %dma_start3A_252] : memref<10000x128xf32, #tpu.memory_space<hbm>> -> memref<10000x128xf32, #tpu.memory_space<hbm>>
        tpu.enqueue_indirect_dma source(%dma_start3A_253 : memref<10000x128xf32, #tpu.memory_space<hbm>>) target(%dma_start3A_247 : memref<128x128xf32, #tpu.memory_space<vmem>>) offsets(%dma_start3A_250 : memref<128xi32, #tpu.memory_space<vmem>>) semaphore(%arg16 : memref<!tpu.dma_semaphore, #tpu.memory_space<semaphore_mem>>)
        %dma_start3A_254 = arith.constant 1 : i32
        %dma_start3A_255 = arith.constant 0 : i32
        %dma_start3A_256 = arith.constant 0 : i32
        %dma_start3A_257 = tpu.memref_slice %arg13[%dma_start3A_254, %dma_start3A_255, %dma_start3A_256] : memref<2x128x8xf32, #tpu.memory_space<vmem>> -> memref<1x128x8xf32, #tpu.memory_space<vmem>>
        %dma_start3A_258 = tpu.memref_squeeze %dma_start3A_257 : memref<1x128x8xf32, #tpu.memory_space<vmem>> -> memref<128x8xf32, #tpu.memory_space<vmem>>
        %dma_start3A_259 = arith.constant 0 : i32
        %dma_start3A_260 = tpu.memref_slice %arg10[%select_n3A_69, %dma_start3A_259] : memref<3x128xi32, #tpu.memory_space<vmem>> -> memref<1x128xi32, #tpu.memory_space<vmem>>
        %dma_start3A_261 = tpu.memref_squeeze %dma_start3A_260 : memref<1x128xi32, #tpu.memory_space<vmem>> -> memref<128xi32, #tpu.memory_space<vmem>>
        %dma_start3A_262 = arith.constant 0 : i32
        %dma_start3A_263 = arith.constant 0 : i32
        %dma_start3A_264 = tpu.memref_slice %arg3[%dma_start3A_262, %dma_start3A_263] : memref<10000x8xf32, #tpu.memory_space<hbm>> -> memref<10000x8xf32, #tpu.memory_space<hbm>>
        tpu.enqueue_indirect_dma source(%dma_start3A_264 : memref<10000x8xf32, #tpu.memory_space<hbm>>) target(%dma_start3A_258 : memref<128x8xf32, #tpu.memory_space<vmem>>) offsets(%dma_start3A_261 : memref<128xi32, #tpu.memory_space<vmem>>) semaphore(%arg16 : memref<!tpu.dma_semaphore, #tpu.memory_space<semaphore_mem>>)
      } else {
      }
      %mul3A_119 = arith.constant 32 : i32
      %mul3A_120 = arith.muli %add3A_41, %mul3A_119 : i32
      %add3A_121 = arith.addi %mul3A_120, %add3A : i32
      %lt3A_122 = arith.constant 2500 : i32
      %lt3A_123 = arith.cmpi slt, %add3A_121, %lt3A_122 : i32
      %convert_element_type3A_124 = arith.extui %lt3A_123 : i1 to i32
      %cond3A_125 = arith.constant 0 : i32
      %cond3A_126 = arith.cmpi ne, %convert_element_type3A_124, %cond3A_125 : i32
      scf.if %cond3A_126 {
        %dma_wait3A = arith.constant 0 : i32
        %dma_wait3A_244 = arith.constant 0 : i32
        %dma_wait3A_245 = arith.constant 0 : i32
        %dma_wait3A_246 = tpu.memref_slice %arg12[%dma_wait3A, %dma_wait3A_244, %dma_wait3A_245] : memref<2x128x128xf32, #tpu.memory_space<vmem>> -> memref<1x128x128xf32, #tpu.memory_space<vmem>>
        %dma_wait3A_247 = tpu.memref_squeeze %dma_wait3A_246 : memref<1x128x128xf32, #tpu.memory_space<vmem>> -> memref<128x128xf32, #tpu.memory_space<vmem>>
        %dma_wait3A_248 = arith.constant 0 : i32
        %dma_wait3A_249 = tpu.memref_slice %arg10[%select_n3A_51, %dma_wait3A_248] : memref<3x128xi32, #tpu.memory_space<vmem>> -> memref<1x128xi32, #tpu.memory_space<vmem>>
        %dma_wait3A_250 = tpu.memref_squeeze %dma_wait3A_249 : memref<1x128xi32, #tpu.memory_space<vmem>> -> memref<128xi32, #tpu.memory_space<vmem>>
        %dma_wait3A_251 = arith.constant 0 : i32
        %dma_wait3A_252 = arith.constant 0 : i32
        %dma_wait3A_253 = tpu.memref_slice %arg2[%dma_wait3A_251, %dma_wait3A_252] : memref<10000x128xf32, #tpu.memory_space<hbm>> -> memref<10000x128xf32, #tpu.memory_space<hbm>>
        tpu.wait_indirect_dma semaphore(%arg16 : memref<!tpu.dma_semaphore, #tpu.memory_space<semaphore_mem>>) src(%dma_wait3A_253 : memref<10000x128xf32, #tpu.memory_space<hbm>>) dst(%dma_wait3A_247 : memref<128x128xf32, #tpu.memory_space<vmem>>)
        %dma_wait3A_254 = arith.constant 0 : i32
        %dma_wait3A_255 = arith.constant 0 : i32
        %dma_wait3A_256 = arith.constant 0 : i32
        %dma_wait3A_257 = tpu.memref_slice %arg13[%dma_wait3A_254, %dma_wait3A_255, %dma_wait3A_256] : memref<2x128x8xf32, #tpu.memory_space<vmem>> -> memref<1x128x8xf32, #tpu.memory_space<vmem>>
        %dma_wait3A_258 = tpu.memref_squeeze %dma_wait3A_257 : memref<1x128x8xf32, #tpu.memory_space<vmem>> -> memref<128x8xf32, #tpu.memory_space<vmem>>
        %dma_wait3A_259 = arith.constant 0 : i32
        %dma_wait3A_260 = tpu.memref_slice %arg10[%select_n3A_51, %dma_wait3A_259] : memref<3x128xi32, #tpu.memory_space<vmem>> -> memref<1x128xi32, #tpu.memory_space<vmem>>
        %dma_wait3A_261 = tpu.memref_squeeze %dma_wait3A_260 : memref<1x128xi32, #tpu.memory_space<vmem>> -> memref<128xi32, #tpu.memory_space<vmem>>
        %dma_wait3A_262 = arith.constant 0 : i32
        %dma_wait3A_263 = arith.constant 0 : i32
        %dma_wait3A_264 = tpu.memref_slice %arg3[%dma_wait3A_262, %dma_wait3A_263] : memref<10000x8xf32, #tpu.memory_space<hbm>> -> memref<10000x8xf32, #tpu.memory_space<hbm>>
        tpu.wait_indirect_dma semaphore(%arg16 : memref<!tpu.dma_semaphore, #tpu.memory_space<semaphore_mem>>) src(%dma_wait3A_264 : memref<10000x8xf32, #tpu.memory_space<hbm>>) dst(%dma_wait3A_258 : memref<128x8xf32, #tpu.memory_space<vmem>>)
        %dma_start3A = arith.constant 0 : i32
        %dma_start3A_265 = arith.constant 0 : i32
        %dma_start3A_266 = arith.constant 0 : i32
        %dma_start3A_267 = tpu.memref_slice %arg12[%dma_start3A, %dma_start3A_265, %dma_start3A_266] : memref<2x128x128xf32, #tpu.memory_space<vmem>> -> memref<1x128x128xf32, #tpu.memory_space<vmem>>
        %dma_start3A_268 = tpu.memref_squeeze %dma_start3A_267 : memref<1x128x128xf32, #tpu.memory_space<vmem>> -> memref<128x128xf32, #tpu.memory_space<vmem>>
        %dma_start3A_269 = arith.constant 0 : i32
        %dma_start3A_270 = tpu.memref_slice %arg11[%select_n3A_51, %dma_start3A_269] : memref<3x128xi32, #tpu.memory_space<vmem>> -> memref<1x128xi32, #tpu.memory_space<vmem>>
        %dma_start3A_271 = tpu.memref_squeeze %dma_start3A_270 : memref<1x128xi32, #tpu.memory_space<vmem>> -> memref<128xi32, #tpu.memory_space<vmem>>
        %dma_start3A_272 = arith.constant 0 : i32
        %dma_start3A_273 = arith.constant 0 : i32
        %dma_start3A_274 = tpu.memref_slice %arg14[%dma_start3A_272, %dma_start3A_273] : memref<10240x128xf32, #tpu.memory_space<vmem_shared>> -> memref<10240x128xf32, #tpu.memory_space<vmem_shared>>
        tpu.enqueue_indirect_dma source(%dma_start3A_268 : memref<128x128xf32, #tpu.memory_space<vmem>>) target(%dma_start3A_274 : memref<10240x128xf32, #tpu.memory_space<vmem_shared>>) offsets(%dma_start3A_271 : memref<128xi32, #tpu.memory_space<vmem>>) semaphore(%arg18 : memref<!tpu.dma_semaphore, #tpu.memory_space<semaphore_mem>>) {add = true}
        %dma_start3A_275 = arith.constant 0 : i32
        %dma_start3A_276 = arith.constant 0 : i32
        %dma_start3A_277 = arith.constant 0 : i32
        %dma_start3A_278 = tpu.memref_slice %arg13[%dma_start3A_275, %dma_start3A_276, %dma_start3A_277] : memref<2x128x8xf32, #tpu.memory_space<vmem>> -> memref<1x128x8xf32, #tpu.memory_space<vmem>>
        %dma_start3A_279 = tpu.memref_squeeze %dma_start3A_278 : memref<1x128x8xf32, #tpu.memory_space<vmem>> -> memref<128x8xf32, #tpu.memory_space<vmem>>
        %dma_start3A_280 = arith.constant 0 : i32
        %dma_start3A_281 = tpu.memref_slice %arg11[%select_n3A_51, %dma_start3A_280] : memref<3x128xi32, #tpu.memory_space<vmem>> -> memref<1x128xi32, #tpu.memory_space<vmem>>
        %dma_start3A_282 = tpu.memref_squeeze %dma_start3A_281 : memref<1x128xi32, #tpu.memory_space<vmem>> -> memref<128xi32, #tpu.memory_space<vmem>>
        %dma_start3A_283 = arith.constant 0 : i32
        %dma_start3A_284 = arith.constant 0 : i32
        %dma_start3A_285 = tpu.memref_slice %arg15[%dma_start3A_283, %dma_start3A_284] : memref<10240x8xf32, #tpu.memory_space<vmem_shared>> -> memref<10240x8xf32, #tpu.memory_space<vmem_shared>>
        tpu.enqueue_indirect_dma source(%dma_start3A_279 : memref<128x8xf32, #tpu.memory_space<vmem>>) target(%dma_start3A_285 : memref<10240x8xf32, #tpu.memory_space<vmem_shared>>) offsets(%dma_start3A_282 : memref<128xi32, #tpu.memory_space<vmem>>) semaphore(%arg18 : memref<!tpu.dma_semaphore, #tpu.memory_space<semaphore_mem>>) {add = true}
      } else {
      }
      %add3A_127 = arith.constant 2 : i32
      %add3A_128 = arith.addi %add3A_41, %add3A_127 : i32
      %mul3A_129 = arith.constant 32 : i32
      %mul3A_130 = arith.muli %add3A_128, %mul3A_129 : i32
      %add3A_131 = arith.addi %mul3A_130, %add3A : i32
      %lt3A_132 = arith.constant 2500 : i32
      %lt3A_133 = arith.cmpi slt, %add3A_131, %lt3A_132 : i32
      %convert_element_type3A_134 = arith.extui %lt3A_133 : i1 to i32
      %cond3A_135 = arith.constant 0 : i32
      %cond3A_136 = arith.cmpi ne, %convert_element_type3A_134, %cond3A_135 : i32
      scf.if %cond3A_136 {
        %add3A_244 = arith.constant 2 : i32
        %add3A_245 = arith.addi %add3A_41, %add3A_244 : i32
        %mul3A_246 = arith.constant 32 : i32
        %mul3A_247 = arith.muli %add3A_245, %mul3A_246 : i32
        %add3A_248 = arith.addi %mul3A_247, %add3A : i32
        %mul3A_249 = arith.constant 128 : i32
        %mul3A_250 = arith.muli %add3A_248, %mul3A_249 : i32
        %multiple_of3A = tpu.assume_multiple %mul3A_250, 128 : i32
        %dma_start3A = arith.constant 0 : i32
        %dma_start3A_251 = tpu.memref_slice %arg10[%select_n3A_87, %dma_start3A] : memref<3x128xi32, #tpu.memory_space<vmem>> -> memref<1x128xi32, #tpu.memory_space<vmem>>
        %dma_start3A_252 = tpu.memref_squeeze %dma_start3A_251 : memref<1x128xi32, #tpu.memory_space<vmem>> -> memref<128xi32, #tpu.memory_space<vmem>>
        %dma_start3A_253 = tpu.memref_slice %arg5[%multiple_of3A] : memref<320000xi32, #tpu.memory_space<hbm>> -> memref<128xi32, #tpu.memory_space<hbm>>
        %dma_start3A_254 = arith.constant 0 : i32
        %dma_start3A_255 = tpu.memref_slice %arg10[%select_n3A_87, %dma_start3A_254] : memref<3x128xi32, #tpu.memory_space<vmem>> -> memref<1x128xi32, #tpu.memory_space<vmem>>
        %dma_start3A_256 = tpu.memref_squeeze %dma_start3A_255 : memref<1x128xi32, #tpu.memory_space<vmem>> -> memref<128xi32, #tpu.memory_space<vmem>>
        %dma_start3A_257 = tpu.memref_slice %arg5[%multiple_of3A] : memref<320000xi32, #tpu.memory_space<hbm>> -> memref<128xi32, #tpu.memory_space<hbm>>
        tpu.enqueue_dma source(%dma_start3A_257 : memref<128xi32, #tpu.memory_space<hbm>>) target(%dma_start3A_256 : memref<128xi32, #tpu.memory_space<vmem>>) target_semaphore(%arg17 : memref<!tpu.dma_semaphore, #tpu.memory_space<semaphore_mem>>)
        %dma_start3A_258 = arith.constant 0 : i32
        %dma_start3A_259 = tpu.memref_slice %arg11[%select_n3A_87, %dma_start3A_258] : memref<3x128xi32, #tpu.memory_space<vmem>> -> memref<1x128xi32, #tpu.memory_space<vmem>>
        %dma_start3A_260 = tpu.memref_squeeze %dma_start3A_259 : memref<1x128xi32, #tpu.memory_space<vmem>> -> memref<128xi32, #tpu.memory_space<vmem>>
        %dma_start3A_261 = tpu.memref_slice %arg4[%multiple_of3A] : memref<320000xi32, #tpu.memory_space<hbm>> -> memref<128xi32, #tpu.memory_space<hbm>>
        %dma_start3A_262 = arith.constant 0 : i32
        %dma_start3A_263 = tpu.memref_slice %arg11[%select_n3A_87, %dma_start3A_262] : memref<3x128xi32, #tpu.memory_space<vmem>> -> memref<1x128xi32, #tpu.memory_space<vmem>>
        %dma_start3A_264 = tpu.memref_squeeze %dma_start3A_263 : memref<1x128xi32, #tpu.memory_space<vmem>> -> memref<128xi32, #tpu.memory_space<vmem>>
        %dma_start3A_265 = tpu.memref_slice %arg4[%multiple_of3A] : memref<320000xi32, #tpu.memory_space<hbm>> -> memref<128xi32, #tpu.memory_space<hbm>>
        tpu.enqueue_dma source(%dma_start3A_265 : memref<128xi32, #tpu.memory_space<hbm>>) target(%dma_start3A_264 : memref<128xi32, #tpu.memory_space<vmem>>) target_semaphore(%arg17 : memref<!tpu.dma_semaphore, #tpu.memory_space<semaphore_mem>>)
      } else {
      }
      %mul3A_137 = arith.constant 2 : i32
      %mul3A_138 = arith.muli %scan3A_37, %mul3A_137 : i32
      %add3A_139 = arith.constant 1 : i32
      %add3A_140 = arith.addi %mul3A_138, %add3A_139 : i32
      %jit3A_141 = arith.constant 3 : i32
      %eq3A_142 = arith.constant 0 : i32
      %eq3A_143 = arith.cmpi eq, %jit3A_141, %eq3A_142 : i32
      %jit3A_144 = arith.constant 1 : i32
      %select_n3A_145 = arith.select %eq3A_143, %jit3A_144, %jit3A_141 : i32
      %rem3A_146 = arith.remsi %add3A_140, %select_n3A_145 : i32
      %ne3A_147 = arith.constant 0 : i32
      %ne3A_148 = arith.cmpi ne, %rem3A_146, %ne3A_147 : i32
      %lt3A_149 = arith.constant 0 : i32
      %lt3A_150 = arith.cmpi slt, %rem3A_146, %lt3A_149 : i32
      %lt3A_151 = arith.constant 0 : i32
      %lt3A_152 = arith.cmpi slt, %select_n3A_145, %lt3A_151 : i32
      %ne3A_153 = arith.xori %lt3A_150, %lt3A_152 : i1
      %and3A_154 = arith.andi %ne3A_153, %ne3A_148 : i1
      %add3A_155 = arith.addi %rem3A_146, %select_n3A_145 : i32
      %select_n3A_156 = arith.select %and3A_154, %add3A_155, %rem3A_146 : i32
      %add3A_157 = arith.constant 1 : i32
      %add3A_158 = arith.addi %add3A_140, %add3A_157 : i32
      %jit3A_159 = arith.constant 3 : i32
      %eq3A_160 = arith.constant 0 : i32
      %eq3A_161 = arith.cmpi eq, %jit3A_159, %eq3A_160 : i32
      %jit3A_162 = arith.constant 1 : i32
      %select_n3A_163 = arith.select %eq3A_161, %jit3A_162, %jit3A_159 : i32
      %rem3A_164 = arith.remsi %add3A_158, %select_n3A_163 : i32
      %ne3A_165 = arith.constant 0 : i32
      %ne3A_166 = arith.cmpi ne, %rem3A_164, %ne3A_165 : i32
      %lt3A_167 = arith.constant 0 : i32
      %lt3A_168 = arith.cmpi slt, %rem3A_164, %lt3A_167 : i32
      %lt3A_169 = arith.constant 0 : i32
      %lt3A_170 = arith.cmpi slt, %select_n3A_163, %lt3A_169 : i32
      %ne3A_171 = arith.xori %lt3A_168, %lt3A_170 : i1
      %and3A_172 = arith.andi %ne3A_171, %ne3A_166 : i1
      %add3A_173 = arith.addi %rem3A_164, %select_n3A_163 : i32
      %select_n3A_174 = arith.select %and3A_172, %add3A_173, %rem3A_164 : i32
      %add3A_175 = arith.constant 2 : i32
      %add3A_176 = arith.addi %add3A_140, %add3A_175 : i32
      %jit3A_177 = arith.constant 3 : i32
      %eq3A_178 = arith.constant 0 : i32
      %eq3A_179 = arith.cmpi eq, %jit3A_177, %eq3A_178 : i32
      %jit3A_180 = arith.constant 1 : i32
      %select_n3A_181 = arith.select %eq3A_179, %jit3A_180, %jit3A_177 : i32
      %rem3A_182 = arith.remsi %add3A_176, %select_n3A_181 : i32
      %ne3A_183 = arith.constant 0 : i32
      %ne3A_184 = arith.cmpi ne, %rem3A_182, %ne3A_183 : i32
      %lt3A_185 = arith.constant 0 : i32
      %lt3A_186 = arith.cmpi slt, %rem3A_182, %lt3A_185 : i32
      %lt3A_187 = arith.constant 0 : i32
      %lt3A_188 = arith.cmpi slt, %select_n3A_181, %lt3A_187 : i32
      %ne3A_189 = arith.xori %lt3A_186, %lt3A_188 : i1
      %and3A_190 = arith.andi %ne3A_189, %ne3A_184 : i1
      %add3A_191 = arith.addi %rem3A_182, %select_n3A_181 : i32
      %select_n3A_192 = arith.select %and3A_190, %add3A_191, %rem3A_182 : i32
      %add3A_193 = arith.constant 1 : i32
      %add3A_194 = arith.addi %add3A_140, %add3A_193 : i32
      %mul3A_195 = arith.constant 32 : i32
      %mul3A_196 = arith.muli %add3A_194, %mul3A_195 : i32
      %add3A_197 = arith.addi %mul3A_196, %add3A : i32
      %lt3A_198 = arith.constant 2500 : i32
      %lt3A_199 = arith.cmpi slt, %add3A_197, %lt3A_198 : i32
      %convert_element_type3A_200 = arith.extui %lt3A_199 : i1 to i32
      %cond3A_201 = arith.constant 0 : i32
      %cond3A_202 = arith.cmpi ne, %convert_element_type3A_200, %cond3A_201 : i32
      scf.if %cond3A_202 {
        %add3A_244 = arith.constant 1 : i32
        %add3A_245 = arith.addi %add3A_140, %add3A_244 : i32
        %mul3A_246 = arith.constant 32 : i32
        %mul3A_247 = arith.muli %add3A_245, %mul3A_246 : i32
        %add3A_248 = arith.addi %mul3A_247, %add3A : i32
        %mul3A_249 = arith.constant 128 : i32
        %mul3A_250 = arith.muli %add3A_248, %mul3A_249 : i32
        %multiple_of3A = tpu.assume_multiple %mul3A_250, 128 : i32
        %dma_wait3A = arith.constant 0 : i32
        %dma_wait3A_251 = tpu.memref_slice %arg10[%select_n3A_174, %dma_wait3A] : memref<3x128xi32, #tpu.memory_space<vmem>> -> memref<1x128xi32, #tpu.memory_space<vmem>>
        %dma_wait3A_252 = tpu.memref_squeeze %dma_wait3A_251 : memref<1x128xi32, #tpu.memory_space<vmem>> -> memref<128xi32, #tpu.memory_space<vmem>>
        %dma_wait3A_253 = tpu.memref_slice %arg5[%multiple_of3A] : memref<320000xi32, #tpu.memory_space<hbm>> -> memref<128xi32, #tpu.memory_space<hbm>>
        %dma_wait3A_254 = arith.constant 0 : i32
        %dma_wait3A_255 = tpu.memref_slice %arg10[%select_n3A_174, %dma_wait3A_254] : memref<3x128xi32, #tpu.memory_space<vmem>> -> memref<1x128xi32, #tpu.memory_space<vmem>>
        %dma_wait3A_256 = tpu.memref_squeeze %dma_wait3A_255 : memref<1x128xi32, #tpu.memory_space<vmem>> -> memref<128xi32, #tpu.memory_space<vmem>>
        %dma_wait3A_257 = tpu.memref_slice %arg5[%multiple_of3A] : memref<320000xi32, #tpu.memory_space<hbm>> -> memref<128xi32, #tpu.memory_space<hbm>>
        tpu.wait_dma2 semaphore(%arg17 : memref<!tpu.dma_semaphore, #tpu.memory_space<semaphore_mem>>) src(%dma_wait3A_257 : memref<128xi32, #tpu.memory_space<hbm>>) dst(%dma_wait3A_256 : memref<128xi32, #tpu.memory_space<vmem>>)
        %dma_wait3A_258 = arith.constant 0 : i32
        %dma_wait3A_259 = tpu.memref_slice %arg11[%select_n3A_174, %dma_wait3A_258] : memref<3x128xi32, #tpu.memory_space<vmem>> -> memref<1x128xi32, #tpu.memory_space<vmem>>
        %dma_wait3A_260 = tpu.memref_squeeze %dma_wait3A_259 : memref<1x128xi32, #tpu.memory_space<vmem>> -> memref<128xi32, #tpu.memory_space<vmem>>
        %dma_wait3A_261 = tpu.memref_slice %arg4[%multiple_of3A] : memref<320000xi32, #tpu.memory_space<hbm>> -> memref<128xi32, #tpu.memory_space<hbm>>
        %dma_wait3A_262 = arith.constant 0 : i32
        %dma_wait3A_263 = tpu.memref_slice %arg11[%select_n3A_174, %dma_wait3A_262] : memref<3x128xi32, #tpu.memory_space<vmem>> -> memref<1x128xi32, #tpu.memory_space<vmem>>
        %dma_wait3A_264 = tpu.memref_squeeze %dma_wait3A_263 : memref<1x128xi32, #tpu.memory_space<vmem>> -> memref<128xi32, #tpu.memory_space<vmem>>
        %dma_wait3A_265 = tpu.memref_slice %arg4[%multiple_of3A] : memref<320000xi32, #tpu.memory_space<hbm>> -> memref<128xi32, #tpu.memory_space<hbm>>
        tpu.wait_dma2 semaphore(%arg17 : memref<!tpu.dma_semaphore, #tpu.memory_space<semaphore_mem>>) src(%dma_wait3A_265 : memref<128xi32, #tpu.memory_space<hbm>>) dst(%dma_wait3A_264 : memref<128xi32, #tpu.memory_space<vmem>>)
      } else {
      }
      %ge3A_203 = arith.constant 1 : i32
      %ge3A_204 = arith.cmpi sge, %add3A_140, %ge3A_203 : i32
      %sub3A_205 = arith.constant 1 : i32
      %sub3A_206 = arith.subi %add3A_140, %sub3A_205 : i32
      %mul3A_207 = arith.constant 32 : i32
      %mul3A_208 = arith.muli %sub3A_206, %mul3A_207 : i32
      %add3A_209 = arith.addi %mul3A_208, %add3A : i32
      %lt3A_210 = arith.constant 2500 : i32
      %lt3A_211 = arith.cmpi slt, %add3A_209, %lt3A_210 : i32
      %and3A_212 = arith.andi %ge3A_204, %lt3A_211 : i1
      %convert_element_type3A_213 = arith.extui %and3A_212 : i1 to i32
      %cond3A_214 = arith.constant 0 : i32
      %cond3A_215 = arith.cmpi ne, %convert_element_type3A_213, %cond3A_214 : i32
      scf.if %cond3A_215 {
        %sub3A_244 = arith.constant 1 : i32
        %sub3A_245 = arith.subi %add3A_140, %sub3A_244 : i32
        %jit3A_246 = arith.constant 3 : i32
        %eq3A_247 = arith.constant 0 : i32
        %eq3A_248 = arith.cmpi eq, %jit3A_246, %eq3A_247 : i32
        %jit3A_249 = arith.constant 1 : i32
        %select_n3A_250 = arith.select %eq3A_248, %jit3A_249, %jit3A_246 : i32
        %rem3A_251 = arith.remsi %sub3A_245, %select_n3A_250 : i32
        %ne3A_252 = arith.constant 0 : i32
        %ne3A_253 = arith.cmpi ne, %rem3A_251, %ne3A_252 : i32
        %lt3A_254 = arith.constant 0 : i32
        %lt3A_255 = arith.cmpi slt, %rem3A_251, %lt3A_254 : i32
        %lt3A_256 = arith.constant 0 : i32
        %lt3A_257 = arith.cmpi slt, %select_n3A_250, %lt3A_256 : i32
        %ne3A_258 = arith.xori %lt3A_255, %lt3A_257 : i1
        %and3A_259 = arith.andi %ne3A_258, %ne3A_253 : i1
        %add3A_260 = arith.addi %rem3A_251, %select_n3A_250 : i32
        %select_n3A_261 = arith.select %and3A_259, %add3A_260, %rem3A_251 : i32
        %dma_wait3A = arith.constant 0 : i32
        %dma_wait3A_262 = arith.constant 0 : i32
        %dma_wait3A_263 = arith.constant 0 : i32
        %dma_wait3A_264 = tpu.memref_slice %arg12[%dma_wait3A, %dma_wait3A_262, %dma_wait3A_263] : memref<2x128x128xf32, #tpu.memory_space<vmem>> -> memref<1x128x128xf32, #tpu.memory_space<vmem>>
        %dma_wait3A_265 = tpu.memref_squeeze %dma_wait3A_264 : memref<1x128x128xf32, #tpu.memory_space<vmem>> -> memref<128x128xf32, #tpu.memory_space<vmem>>
        %dma_wait3A_266 = arith.constant 0 : i32
        %dma_wait3A_267 = tpu.memref_slice %arg11[%select_n3A_261, %dma_wait3A_266] : memref<3x128xi32, #tpu.memory_space<vmem>> -> memref<1x128xi32, #tpu.memory_space<vmem>>
        %dma_wait3A_268 = tpu.memref_squeeze %dma_wait3A_267 : memref<1x128xi32, #tpu.memory_space<vmem>> -> memref<128xi32, #tpu.memory_space<vmem>>
        %dma_wait3A_269 = arith.constant 0 : i32
        %dma_wait3A_270 = arith.constant 0 : i32
        %dma_wait3A_271 = tpu.memref_slice %arg14[%dma_wait3A_269, %dma_wait3A_270] : memref<10240x128xf32, #tpu.memory_space<vmem_shared>> -> memref<10240x128xf32, #tpu.memory_space<vmem_shared>>
        tpu.wait_indirect_dma semaphore(%arg18 : memref<!tpu.dma_semaphore, #tpu.memory_space<semaphore_mem>>) src(%dma_wait3A_265 : memref<128x128xf32, #tpu.memory_space<vmem>>) dst(%dma_wait3A_271 : memref<10240x128xf32, #tpu.memory_space<vmem_shared>>)
        %dma_wait3A_272 = arith.constant 0 : i32
        %dma_wait3A_273 = arith.constant 0 : i32
        %dma_wait3A_274 = arith.constant 0 : i32
        %dma_wait3A_275 = tpu.memref_slice %arg13[%dma_wait3A_272, %dma_wait3A_273, %dma_wait3A_274] : memref<2x128x8xf32, #tpu.memory_space<vmem>> -> memref<1x128x8xf32, #tpu.memory_space<vmem>>
        %dma_wait3A_276 = tpu.memref_squeeze %dma_wait3A_275 : memref<1x128x8xf32, #tpu.memory_space<vmem>> -> memref<128x8xf32, #tpu.memory_space<vmem>>
        %dma_wait3A_277 = arith.constant 0 : i32
        %dma_wait3A_278 = tpu.memref_slice %arg11[%select_n3A_261, %dma_wait3A_277] : memref<3x128xi32, #tpu.memory_space<vmem>> -> memref<1x128xi32, #tpu.memory_space<vmem>>
        %dma_wait3A_279 = tpu.memref_squeeze %dma_wait3A_278 : memref<1x128xi32, #tpu.memory_space<vmem>> -> memref<128xi32, #tpu.memory_space<vmem>>
        %dma_wait3A_280 = arith.constant 0 : i32
        %dma_wait3A_281 = arith.constant 0 : i32
        %dma_wait3A_282 = tpu.memref_slice %arg15[%dma_wait3A_280, %dma_wait3A_281] : memref<10240x8xf32, #tpu.memory_space<vmem_shared>> -> memref<10240x8xf32, #tpu.memory_space<vmem_shared>>
        tpu.wait_indirect_dma semaphore(%arg18 : memref<!tpu.dma_semaphore, #tpu.memory_space<semaphore_mem>>) src(%dma_wait3A_276 : memref<128x8xf32, #tpu.memory_space<vmem>>) dst(%dma_wait3A_282 : memref<10240x8xf32, #tpu.memory_space<vmem_shared>>)
      } else {
      }
      %add3A_216 = arith.constant 1 : i32
      %add3A_217 = arith.addi %add3A_140, %add3A_216 : i32
      %mul3A_218 = arith.constant 32 : i32
      %mul3A_219 = arith.muli %add3A_217, %mul3A_218 : i32
      %add3A_220 = arith.addi %mul3A_219, %add3A : i32
      %lt3A_221 = arith.constant 2500 : i32
      %lt3A_222 = arith.cmpi slt, %add3A_220, %lt3A_221 : i32
      %convert_element_type3A_223 = arith.extui %lt3A_222 : i1 to i32
      %cond3A_224 = arith.constant 0 : i32
      %cond3A_225 = arith.cmpi ne, %convert_element_type3A_223, %cond3A_224 : i32
      scf.if %cond3A_225 {
        %dma_start3A = arith.constant 0 : i32
        %dma_start3A_244 = arith.constant 0 : i32
        %dma_start3A_245 = arith.constant 0 : i32
        %dma_start3A_246 = tpu.memref_slice %arg12[%dma_start3A, %dma_start3A_244, %dma_start3A_245] : memref<2x128x128xf32, #tpu.memory_space<vmem>> -> memref<1x128x128xf32, #tpu.memory_space<vmem>>
        %dma_start3A_247 = tpu.memref_squeeze %dma_start3A_246 : memref<1x128x128xf32, #tpu.memory_space<vmem>> -> memref<128x128xf32, #tpu.memory_space<vmem>>
        %dma_start3A_248 = arith.constant 0 : i32
        %dma_start3A_249 = tpu.memref_slice %arg10[%select_n3A_174, %dma_start3A_248] : memref<3x128xi32, #tpu.memory_space<vmem>> -> memref<1x128xi32, #tpu.memory_space<vmem>>
        %dma_start3A_250 = tpu.memref_squeeze %dma_start3A_249 : memref<1x128xi32, #tpu.memory_space<vmem>> -> memref<128xi32, #tpu.memory_space<vmem>>
        %dma_start3A_251 = arith.constant 0 : i32
        %dma_start3A_252 = arith.constant 0 : i32
        %dma_start3A_253 = tpu.memref_slice %arg2[%dma_start3A_251, %dma_start3A_252] : memref<10000x128xf32, #tpu.memory_space<hbm>> -> memref<10000x128xf32, #tpu.memory_space<hbm>>
        tpu.enqueue_indirect_dma source(%dma_start3A_253 : memref<10000x128xf32, #tpu.memory_space<hbm>>) target(%dma_start3A_247 : memref<128x128xf32, #tpu.memory_space<vmem>>) offsets(%dma_start3A_250 : memref<128xi32, #tpu.memory_space<vmem>>) semaphore(%arg16 : memref<!tpu.dma_semaphore, #tpu.memory_space<semaphore_mem>>)
        %dma_start3A_254 = arith.constant 0 : i32
        %dma_start3A_255 = arith.constant 0 : i32
        %dma_start3A_256 = arith.constant 0 : i32
        %dma_start3A_257 = tpu.memref_slice %arg13[%dma_start3A_254, %dma_start3A_255, %dma_start3A_256] : memref<2x128x8xf32, #tpu.memory_space<vmem>> -> memref<1x128x8xf32, #tpu.memory_space<vmem>>
        %dma_start3A_258 = tpu.memref_squeeze %dma_start3A_257 : memref<1x128x8xf32, #tpu.memory_space<vmem>> -> memref<128x8xf32, #tpu.memory_space<vmem>>
        %dma_start3A_259 = arith.constant 0 : i32
        %dma_start3A_260 = tpu.memref_slice %arg10[%select_n3A_174, %dma_start3A_259] : memref<3x128xi32, #tpu.memory_space<vmem>> -> memref<1x128xi32, #tpu.memory_space<vmem>>
        %dma_start3A_261 = tpu.memref_squeeze %dma_start3A_260 : memref<1x128xi32, #tpu.memory_space<vmem>> -> memref<128xi32, #tpu.memory_space<vmem>>
        %dma_start3A_262 = arith.constant 0 : i32
        %dma_start3A_263 = arith.constant 0 : i32
        %dma_start3A_264 = tpu.memref_slice %arg3[%dma_start3A_262, %dma_start3A_263] : memref<10000x8xf32, #tpu.memory_space<hbm>> -> memref<10000x8xf32, #tpu.memory_space<hbm>>
        tpu.enqueue_indirect_dma source(%dma_start3A_264 : memref<10000x8xf32, #tpu.memory_space<hbm>>) target(%dma_start3A_258 : memref<128x8xf32, #tpu.memory_space<vmem>>) offsets(%dma_start3A_261 : memref<128xi32, #tpu.memory_space<vmem>>) semaphore(%arg16 : memref<!tpu.dma_semaphore, #tpu.memory_space<semaphore_mem>>)
      } else {
      }
      %mul3A_226 = arith.constant 32 : i32
      %mul3A_227 = arith.muli %add3A_140, %mul3A_226 : i32
      %add3A_228 = arith.addi %mul3A_227, %add3A : i32
      %lt3A_229 = arith.constant 2500 : i32
      %lt3A_230 = arith.cmpi slt, %add3A_228, %lt3A_229 : i32
      %convert_element_type3A_231 = arith.extui %lt3A_230 : i1 to i32
      %cond3A_232 = arith.constant 0 : i32
      %cond3A_233 = arith.cmpi ne, %convert_element_type3A_231, %cond3A_232 : i32
      scf.if %cond3A_233 {
        %dma_wait3A = arith.constant 1 : i32
        %dma_wait3A_244 = arith.constant 0 : i32
        %dma_wait3A_245 = arith.constant 0 : i32
        %dma_wait3A_246 = tpu.memref_slice %arg12[%dma_wait3A, %dma_wait3A_244, %dma_wait3A_245] : memref<2x128x128xf32, #tpu.memory_space<vmem>> -> memref<1x128x128xf32, #tpu.memory_space<vmem>>
        %dma_wait3A_247 = tpu.memref_squeeze %dma_wait3A_246 : memref<1x128x128xf32, #tpu.memory_space<vmem>> -> memref<128x128xf32, #tpu.memory_space<vmem>>
        %dma_wait3A_248 = arith.constant 0 : i32
        %dma_wait3A_249 = tpu.memref_slice %arg10[%select_n3A_156, %dma_wait3A_248] : memref<3x128xi32, #tpu.memory_space<vmem>> -> memref<1x128xi32, #tpu.memory_space<vmem>>
        %dma_wait3A_250 = tpu.memref_squeeze %dma_wait3A_249 : memref<1x128xi32, #tpu.memory_space<vmem>> -> memref<128xi32, #tpu.memory_space<vmem>>
        %dma_wait3A_251 = arith.constant 0 : i32
        %dma_wait3A_252 = arith.constant 0 : i32
        %dma_wait3A_253 = tpu.memref_slice %arg2[%dma_wait3A_251, %dma_wait3A_252] : memref<10000x128xf32, #tpu.memory_space<hbm>> -> memref<10000x128xf32, #tpu.memory_space<hbm>>
        tpu.wait_indirect_dma semaphore(%arg16 : memref<!tpu.dma_semaphore, #tpu.memory_space<semaphore_mem>>) src(%dma_wait3A_253 : memref<10000x128xf32, #tpu.memory_space<hbm>>) dst(%dma_wait3A_247 : memref<128x128xf32, #tpu.memory_space<vmem>>)
        %dma_wait3A_254 = arith.constant 1 : i32
        %dma_wait3A_255 = arith.constant 0 : i32
        %dma_wait3A_256 = arith.constant 0 : i32
        %dma_wait3A_257 = tpu.memref_slice %arg13[%dma_wait3A_254, %dma_wait3A_255, %dma_wait3A_256] : memref<2x128x8xf32, #tpu.memory_space<vmem>> -> memref<1x128x8xf32, #tpu.memory_space<vmem>>
        %dma_wait3A_258 = tpu.memref_squeeze %dma_wait3A_257 : memref<1x128x8xf32, #tpu.memory_space<vmem>> -> memref<128x8xf32, #tpu.memory_space<vmem>>
        %dma_wait3A_259 = arith.constant 0 : i32
        %dma_wait3A_260 = tpu.memref_slice %arg10[%select_n3A_156, %dma_wait3A_259] : memref<3x128xi32, #tpu.memory_space<vmem>> -> memref<1x128xi32, #tpu.memory_space<vmem>>
        %dma_wait3A_261 = tpu.memref_squeeze %dma_wait3A_260 : memref<1x128xi32, #tpu.memory_space<vmem>> -> memref<128xi32, #tpu.memory_space<vmem>>
        %dma_wait3A_262 = arith.constant 0 : i32
        %dma_wait3A_263 = arith.constant 0 : i32
        %dma_wait3A_264 = tpu.memref_slice %arg3[%dma_wait3A_262, %dma_wait3A_263] : memref<10000x8xf32, #tpu.memory_space<hbm>> -> memref<10000x8xf32, #tpu.memory_space<hbm>>
        tpu.wait_indirect_dma semaphore(%arg16 : memref<!tpu.dma_semaphore, #tpu.memory_space<semaphore_mem>>) src(%dma_wait3A_264 : memref<10000x8xf32, #tpu.memory_space<hbm>>) dst(%dma_wait3A_258 : memref<128x8xf32, #tpu.memory_space<vmem>>)
        %dma_start3A = arith.constant 1 : i32
        %dma_start3A_265 = arith.constant 0 : i32
        %dma_start3A_266 = arith.constant 0 : i32
        %dma_start3A_267 = tpu.memref_slice %arg12[%dma_start3A, %dma_start3A_265, %dma_start3A_266] : memref<2x128x128xf32, #tpu.memory_space<vmem>> -> memref<1x128x128xf32, #tpu.memory_space<vmem>>
        %dma_start3A_268 = tpu.memref_squeeze %dma_start3A_267 : memref<1x128x128xf32, #tpu.memory_space<vmem>> -> memref<128x128xf32, #tpu.memory_space<vmem>>
        %dma_start3A_269 = arith.constant 0 : i32
        %dma_start3A_270 = tpu.memref_slice %arg11[%select_n3A_156, %dma_start3A_269] : memref<3x128xi32, #tpu.memory_space<vmem>> -> memref<1x128xi32, #tpu.memory_space<vmem>>
        %dma_start3A_271 = tpu.memref_squeeze %dma_start3A_270 : memref<1x128xi32, #tpu.memory_space<vmem>> -> memref<128xi32, #tpu.memory_space<vmem>>
        %dma_start3A_272 = arith.constant 0 : i32
        %dma_start3A_273 = arith.constant 0 : i32
        %dma_start3A_274 = tpu.memref_slice %arg14[%dma_start3A_272, %dma_start3A_273] : memref<10240x128xf32, #tpu.memory_space<vmem_shared>> -> memref<10240x128xf32, #tpu.memory_space<vmem_shared>>
        tpu.enqueue_indirect_dma source(%dma_start3A_268 : memref<128x128xf32, #tpu.memory_space<vmem>>) target(%dma_start3A_274 : memref<10240x128xf32, #tpu.memory_space<vmem_shared>>) offsets(%dma_start3A_271 : memref<128xi32, #tpu.memory_space<vmem>>) semaphore(%arg18 : memref<!tpu.dma_semaphore, #tpu.memory_space<semaphore_mem>>) {add = true}
        %dma_start3A_275 = arith.constant 1 : i32
        %dma_start3A_276 = arith.constant 0 : i32
        %dma_start3A_277 = arith.constant 0 : i32
        %dma_start3A_278 = tpu.memref_slice %arg13[%dma_start3A_275, %dma_start3A_276, %dma_start3A_277] : memref<2x128x8xf32, #tpu.memory_space<vmem>> -> memref<1x128x8xf32, #tpu.memory_space<vmem>>
        %dma_start3A_279 = tpu.memref_squeeze %dma_start3A_278 : memref<1x128x8xf32, #tpu.memory_space<vmem>> -> memref<128x8xf32, #tpu.memory_space<vmem>>
        %dma_start3A_280 = arith.constant 0 : i32
        %dma_start3A_281 = tpu.memref_slice %arg11[%select_n3A_156, %dma_start3A_280] : memref<3x128xi32, #tpu.memory_space<vmem>> -> memref<1x128xi32, #tpu.memory_space<vmem>>
        %dma_start3A_282 = tpu.memref_squeeze %dma_start3A_281 : memref<1x128xi32, #tpu.memory_space<vmem>> -> memref<128xi32, #tpu.memory_space<vmem>>
        %dma_start3A_283 = arith.constant 0 : i32
        %dma_start3A_284 = arith.constant 0 : i32
        %dma_start3A_285 = tpu.memref_slice %arg15[%dma_start3A_283, %dma_start3A_284] : memref<10240x8xf32, #tpu.memory_space<vmem_shared>> -> memref<10240x8xf32, #tpu.memory_space<vmem_shared>>
        tpu.enqueue_indirect_dma source(%dma_start3A_279 : memref<128x8xf32, #tpu.memory_space<vmem>>) target(%dma_start3A_285 : memref<10240x8xf32, #tpu.memory_space<vmem_shared>>) offsets(%dma_start3A_282 : memref<128xi32, #tpu.memory_space<vmem>>) semaphore(%arg18 : memref<!tpu.dma_semaphore, #tpu.memory_space<semaphore_mem>>) {add = true}
      } else {
      }
      %add3A_234 = arith.constant 2 : i32
      %add3A_235 = arith.addi %add3A_140, %add3A_234 : i32
      %mul3A_236 = arith.constant 32 : i32
      %mul3A_237 = arith.muli %add3A_235, %mul3A_236 : i32
      %add3A_238 = arith.addi %mul3A_237, %add3A : i32
      %lt3A_239 = arith.constant 2500 : i32
      %lt3A_240 = arith.cmpi slt, %add3A_238, %lt3A_239 : i32
      %convert_element_type3A_241 = arith.extui %lt3A_240 : i1 to i32
      %cond3A_242 = arith.constant 0 : i32
      %cond3A_243 = arith.cmpi ne, %convert_element_type3A_241, %cond3A_242 : i32
      scf.if %cond3A_243 {
        %add3A_244 = arith.constant 2 : i32
        %add3A_245 = arith.addi %add3A_140, %add3A_244 : i32
        %mul3A_246 = arith.constant 32 : i32
        %mul3A_247 = arith.muli %add3A_245, %mul3A_246 : i32
        %add3A_248 = arith.addi %mul3A_247, %add3A : i32
        %mul3A_249 = arith.constant 128 : i32
        %mul3A_250 = arith.muli %add3A_248, %mul3A_249 : i32
        %multiple_of3A = tpu.assume_multiple %mul3A_250, 128 : i32
        %dma_start3A = arith.constant 0 : i32
        %dma_start3A_251 = tpu.memref_slice %arg10[%select_n3A_192, %dma_start3A] : memref<3x128xi32, #tpu.memory_space<vmem>> -> memref<1x128xi32, #tpu.memory_space<vmem>>
        %dma_start3A_252 = tpu.memref_squeeze %dma_start3A_251 : memref<1x128xi32, #tpu.memory_space<vmem>> -> memref<128xi32, #tpu.memory_space<vmem>>
        %dma_start3A_253 = tpu.memref_slice %arg5[%multiple_of3A] : memref<320000xi32, #tpu.memory_space<hbm>> -> memref<128xi32, #tpu.memory_space<hbm>>
        %dma_start3A_254 = arith.constant 0 : i32
        %dma_start3A_255 = tpu.memref_slice %arg10[%select_n3A_192, %dma_start3A_254] : memref<3x128xi32, #tpu.memory_space<vmem>> -> memref<1x128xi32, #tpu.memory_space<vmem>>
        %dma_start3A_256 = tpu.memref_squeeze %dma_start3A_255 : memref<1x128xi32, #tpu.memory_space<vmem>> -> memref<128xi32, #tpu.memory_space<vmem>>
        %dma_start3A_257 = tpu.memref_slice %arg5[%multiple_of3A] : memref<320000xi32, #tpu.memory_space<hbm>> -> memref<128xi32, #tpu.memory_space<hbm>>
        tpu.enqueue_dma source(%dma_start3A_257 : memref<128xi32, #tpu.memory_space<hbm>>) target(%dma_start3A_256 : memref<128xi32, #tpu.memory_space<vmem>>) target_semaphore(%arg17 : memref<!tpu.dma_semaphore, #tpu.memory_space<semaphore_mem>>)
        %dma_start3A_258 = arith.constant 0 : i32
        %dma_start3A_259 = tpu.memref_slice %arg11[%select_n3A_192, %dma_start3A_258] : memref<3x128xi32, #tpu.memory_space<vmem>> -> memref<1x128xi32, #tpu.memory_space<vmem>>
        %dma_start3A_260 = tpu.memref_squeeze %dma_start3A_259 : memref<1x128xi32, #tpu.memory_space<vmem>> -> memref<128xi32, #tpu.memory_space<vmem>>
        %dma_start3A_261 = tpu.memref_slice %arg4[%multiple_of3A] : memref<320000xi32, #tpu.memory_space<hbm>> -> memref<128xi32, #tpu.memory_space<hbm>>
        %dma_start3A_262 = arith.constant 0 : i32
        %dma_start3A_263 = tpu.memref_slice %arg11[%select_n3A_192, %dma_start3A_262] : memref<3x128xi32, #tpu.memory_space<vmem>> -> memref<1x128xi32, #tpu.memory_space<vmem>>
        %dma_start3A_264 = tpu.memref_squeeze %dma_start3A_263 : memref<1x128xi32, #tpu.memory_space<vmem>> -> memref<128xi32, #tpu.memory_space<vmem>>
        %dma_start3A_265 = tpu.memref_slice %arg4[%multiple_of3A] : memref<320000xi32, #tpu.memory_space<hbm>> -> memref<128xi32, #tpu.memory_space<hbm>>
        tpu.enqueue_dma source(%dma_start3A_265 : memref<128xi32, #tpu.memory_space<hbm>>) target(%dma_start3A_264 : memref<128xi32, #tpu.memory_space<vmem>>) target_semaphore(%arg17 : memref<!tpu.dma_semaphore, #tpu.memory_space<semaphore_mem>>)
      } else {
      }
    }
    %scan3A_27 = arith.constant 40 : i32
    %barrier3A_28 = arith.constant 0 : index
    tpu.barrier barrier_id(%barrier3A_28)
    %mul3A_29 = arith.constant 640 : i32
    %mul3A_30 = arith.muli %arg1, %mul3A_29 : i32
    %mul3A_31 = arith.constant 640 : i32
    %mul3A_32 = arith.muli %arg1, %mul3A_31 : i32
    "tpu.region"() ({
      %run_scoped3A = tpu.sem_alloc : memref<!tpu.dma_semaphore, #tpu.memory_space<semaphore_mem>>
      %dma_start3A = arith.constant 0 : i32
      %dma_start3A_37 = arith.constant 0 : i32
      %dma_start3A_38 = tpu.memref_slice %arg8[%arg0, %dma_start3A, %dma_start3A_37] : memref<2x10240x128xf32, #tpu.memory_space<hbm>> -> memref<1x10240x128xf32, #tpu.memory_space<hbm>>
      %dma_start3A_39 = tpu.memref_squeeze %dma_start3A_38 : memref<1x10240x128xf32, #tpu.memory_space<hbm>> -> memref<10240x128xf32, #tpu.memory_space<hbm>>
      %dma_start3A_40 = arith.constant 0 : i32
      %dma_start3A_41 = tpu.memref_slice %dma_start3A_39[%mul3A_32, %dma_start3A_40] : memref<10240x128xf32, #tpu.memory_space<hbm>> -> memref<640x128xf32, #tpu.memory_space<hbm>>
      %dma_start3A_42 = arith.constant 0 : i32
      %dma_start3A_43 = tpu.memref_slice %arg14[%mul3A_30, %dma_start3A_42] : memref<10240x128xf32, #tpu.memory_space<vmem_shared>> -> memref<640x128xf32, #tpu.memory_space<vmem_shared>>
      tpu.enqueue_dma source(%dma_start3A_43 : memref<640x128xf32, #tpu.memory_space<vmem_shared>>) target(%dma_start3A_41 : memref<640x128xf32, #tpu.memory_space<hbm>>) target_semaphore(%run_scoped3A : memref<!tpu.dma_semaphore, #tpu.memory_space<semaphore_mem>>)
      %dma_wait3A = arith.constant 0 : i32
      %dma_wait3A_44 = arith.constant 0 : i32
      %dma_wait3A_45 = tpu.memref_slice %arg8[%arg0, %dma_wait3A, %dma_wait3A_44] : memref<2x10240x128xf32, #tpu.memory_space<hbm>> -> memref<1x10240x128xf32, #tpu.memory_space<hbm>>
      %dma_wait3A_46 = tpu.memref_squeeze %dma_wait3A_45 : memref<1x10240x128xf32, #tpu.memory_space<hbm>> -> memref<10240x128xf32, #tpu.memory_space<hbm>>
      %dma_wait3A_47 = arith.constant 0 : i32
      %dma_wait3A_48 = tpu.memref_slice %dma_wait3A_46[%mul3A_32, %dma_wait3A_47] : memref<10240x128xf32, #tpu.memory_space<hbm>> -> memref<640x128xf32, #tpu.memory_space<hbm>>
      %dma_wait3A_49 = arith.constant 0 : i32
      %dma_wait3A_50 = tpu.memref_slice %arg14[%mul3A_30, %dma_wait3A_49] : memref<10240x128xf32, #tpu.memory_space<vmem_shared>> -> memref<640x128xf32, #tpu.memory_space<vmem_shared>>
      tpu.wait_dma2 semaphore(%run_scoped3A : memref<!tpu.dma_semaphore, #tpu.memory_space<semaphore_mem>>) src(%dma_wait3A_50 : memref<640x128xf32, #tpu.memory_space<vmem_shared>>) dst(%dma_wait3A_48 : memref<640x128xf32, #tpu.memory_space<hbm>>)
      tpu.yield
    }) : () -> ()
    %mul3A_33 = arith.constant 640 : i32
    %mul3A_34 = arith.muli %arg1, %mul3A_33 : i32
    %mul3A_35 = arith.constant 640 : i32
    %mul3A_36 = arith.muli %arg1, %mul3A_35 : i32
    "tpu.region"() ({
      %run_scoped3A = tpu.sem_alloc : memref<!tpu.dma_semaphore, #tpu.memory_space<semaphore_mem>>
      %dma_start3A = arith.constant 0 : i32
      %dma_start3A_37 = arith.constant 0 : i32
      %dma_start3A_38 = tpu.memref_slice %arg9[%arg0, %dma_start3A, %dma_start3A_37] : memref<2x10240x8xf32, #tpu.memory_space<hbm>> -> memref<1x10240x8xf32, #tpu.memory_space<hbm>>
      %dma_start3A_39 = tpu.memref_squeeze %dma_start3A_38 : memref<1x10240x8xf32, #tpu.memory_space<hbm>> -> memref<10240x8xf32, #tpu.memory_space<hbm>>
      %dma_start3A_40 = arith.constant 0 : i32
      %dma_start3A_41 = tpu.memref_slice %dma_start3A_39[%mul3A_36, %dma_start3A_40] : memref<10240x8xf32, #tpu.memory_space<hbm>> -> memref<640x8xf32, #tpu.memory_space<hbm>>
      %dma_start3A_42 = arith.constant 0 : i32
      %dma_start3A_43 = tpu.memref_slice %arg15[%mul3A_34, %dma_start3A_42] : memref<10240x8xf32, #tpu.memory_space<vmem_shared>> -> memref<640x8xf32, #tpu.memory_space<vmem_shared>>
      tpu.enqueue_dma source(%dma_start3A_43 : memref<640x8xf32, #tpu.memory_space<vmem_shared>>) target(%dma_start3A_41 : memref<640x8xf32, #tpu.memory_space<hbm>>) target_semaphore(%run_scoped3A : memref<!tpu.dma_semaphore, #tpu.memory_space<semaphore_mem>>)
      %dma_wait3A = arith.constant 0 : i32
      %dma_wait3A_44 = arith.constant 0 : i32
      %dma_wait3A_45 = tpu.memref_slice %arg9[%arg0, %dma_wait3A, %dma_wait3A_44] : memref<2x10240x8xf32, #tpu.memory_space<hbm>> -> memref<1x10240x8xf32, #tpu.memory_space<hbm>>
      %dma_wait3A_46 = tpu.memref_squeeze %dma_wait3A_45 : memref<1x10240x8xf32, #tpu.memory_space<hbm>> -> memref<10240x8xf32, #tpu.memory_space<hbm>>
      %dma_wait3A_47 = arith.constant 0 : i32
      %dma_wait3A_48 = tpu.memref_slice %dma_wait3A_46[%mul3A_36, %dma_wait3A_47] : memref<10240x8xf32, #tpu.memory_space<hbm>> -> memref<640x8xf32, #tpu.memory_space<hbm>>
      %dma_wait3A_49 = arith.constant 0 : i32
      %dma_wait3A_50 = tpu.memref_slice %arg15[%mul3A_34, %dma_wait3A_49] : memref<10240x8xf32, #tpu.memory_space<vmem_shared>> -> memref<640x8xf32, #tpu.memory_space<vmem_shared>>
      tpu.wait_dma2 semaphore(%run_scoped3A : memref<!tpu.dma_semaphore, #tpu.memory_space<semaphore_mem>>) src(%dma_wait3A_50 : memref<640x8xf32, #tpu.memory_space<vmem_shared>>) dst(%dma_wait3A_48 : memref<640x8xf32, #tpu.memory_space<hbm>>)
      tpu.yield
    }) : () -> ()
    return
  }
}

module attributes {stable_mosaic.version = 14 : i64} {
  func.func @_tca_body(%arg0: i32, %arg1: memref<4000x128xf32, #tpu.memory_space<vmem>>, %arg2: memref<128x128xf32, #tpu.memory_space<vmem>>, %arg3: memref<1x128xf32, #tpu.memory_space<vmem>>, %arg4: memref<1x1xf32, #tpu.memory_space<smem>>) attributes {dimension_semantics = [#tpu.dimension_semantics<arbitrary>], iteration_bounds = array<i64: 5>, scalar_prefetch = 0 : i64, scratch_operands = 0 : i64, tpu.core_type = #tpu.core_type<tc>, window_params = [{transform_indices = @transform_0, window_bounds = array<i64: 4000, 128>}, {pipeline_mode = #tpu.pipeline_mode<synchronous>, transform_indices = @transform_1, window_bounds = array<i64: 128, 128>}, {pipeline_mode = #tpu.pipeline_mode<synchronous>, transform_indices = @transform_2, window_bounds = array<i64: 1, 128>}, {transform_indices = @transform_3, window_bounds = array<i64: 1, 1>}]} {
    %get3A = arith.constant 0 : index
    %get3A_0 = arith.constant 0 : index
    %get3A_1 = vector.load %arg1[%get3A, %get3A_0] : memref<4000x128xf32, #tpu.memory_space<vmem>>, vector<4000x128xf32>
    %get3A_2 = arith.constant 0 : index
    %get3A_3 = arith.constant 0 : index
    %get3A_4 = vector.load %arg2[%get3A_2, %get3A_3] : memref<128x128xf32, #tpu.memory_space<vmem>>, vector<128x128xf32>
    %dot_general3A = arith.constant dense<0.000000e+00> : vector<4000x128xf32>
    %dot_general3A_5 = tpu.matmul %get3A_1, %get3A_4, %dot_general3A {dimension_numbers = #tpu.dot_dimension_numbers<[1], [0], [0], [1], [0, 0, 1, 1], [], []>, transpose_lhs_hint = false} : vector<4000x128xf32>, vector<128x128xf32>, vector<4000x128xf32> -> vector<4000x128xf32>
    %get3A_6 = arith.constant 0 : index
    %get3A_7 = arith.constant 0 : index
    %get3A_8 = vector.load %arg3[%get3A_6, %get3A_7] : memref<1x128xf32, #tpu.memory_space<vmem>>, vector<1x128xf32>
    %add3A = vector.broadcast %get3A_8 : vector<1x128xf32> to vector<4000x128xf32>
    %add3A_9 = arith.addf %dot_general3A_5, %add3A : vector<4000x128xf32>
    %slice3A = vector.extract_strided_slice %add3A_9 {offsets = [0, 0], sizes = [4000, 64], strides = [1, 1]} : vector<4000x128xf32> to vector<4000x64xf32>
    %slice3A_10 = vector.extract_strided_slice %add3A_9 {offsets = [0, 64], sizes = [4000, 64], strides = [1, 1]} : vector<4000x128xf32> to vector<4000x64xf32>
    %mul3A = arith.mulf %slice3A, %slice3A_10 : vector<4000x64xf32>
    %reduce_sum3A = arith.constant dense<0.000000e+00> : vector<4000xf32>
    %reduce_sum3A_11 = vector.multi_reduction <add>, %mul3A, %reduce_sum3A [1] : vector<4000x64xf32> to vector<4000xf32>
    %broadcast_in_dim3A = vector.shape_cast %reduce_sum3A_11 : vector<4000xf32> to vector<4000x1xf32>
    %reduce_max3A = vector.shape_cast %broadcast_in_dim3A : vector<4000x1xf32> to vector<1x4000x1xf32>
    %reduce_max3A_12 = arith.constant dense<0xFF800000> : vector<1xf32>
    %reduce_max3A_13 = vector.multi_reduction <maximumf>, %reduce_max3A, %reduce_max3A_12 [1, 2] : vector<1x4000x1xf32> to vector<1xf32>
    %reduce_max3A_14 = vector.shape_cast %reduce_max3A_13 : vector<1xf32> to vector<1x1x1xf32>
    %reduce_max3A_15 = vector.extract %reduce_max3A_14[0, 0, 0] : f32 from vector<1x1x1xf32>
    %eq3A = arith.constant 0 : i32
    %eq3A_16 = arith.cmpi eq, %arg0, %eq3A : i32
    %convert_element_type3A = arith.extui %eq3A_16 : i1 to i32
    %cond3A = arith.constant 0 : i32
    %cond3A_17 = arith.cmpi ne, %convert_element_type3A, %cond3A : i32
    scf.if %cond3A_17 {
      %swap3A = arith.constant 0 : index
      %swap3A_22 = arith.constant 0 : index
      %swap3A_23 = memref.load %arg4[%swap3A, %swap3A_22] : memref<1x1xf32, #tpu.memory_space<smem>>
      memref.store %reduce_max3A_15, %arg4[%swap3A, %swap3A_22] : memref<1x1xf32, #tpu.memory_space<smem>>
    } else {
    }
    %gt3A = arith.constant 0 : i32
    %gt3A_18 = arith.cmpi sgt, %arg0, %gt3A : i32
    %convert_element_type3A_19 = arith.extui %gt3A_18 : i1 to i32
    %cond3A_20 = arith.constant 0 : i32
    %cond3A_21 = arith.cmpi ne, %convert_element_type3A_19, %cond3A_20 : i32
    scf.if %cond3A_21 {
      %get3A_22 = arith.constant 0 : index
      %get3A_23 = arith.constant 0 : index
      %get3A_24 = memref.load %arg4[%get3A_22, %get3A_23] : memref<1x1xf32, #tpu.memory_space<smem>>
      %max3A = arith.maximumf %get3A_24, %reduce_max3A_15 : f32
      %swap3A = arith.constant 0 : index
      %swap3A_25 = arith.constant 0 : index
      %swap3A_26 = memref.load %arg4[%swap3A, %swap3A_25] : memref<1x1xf32, #tpu.memory_space<smem>>
      memref.store %max3A, %arg4[%swap3A, %swap3A_25] : memref<1x1xf32, #tpu.memory_space<smem>>
    } else {
    }
    return
  }
  func.func @transform_0(%arg0: i32) -> (i32, i32) {
    %c0_i32 = arith.constant 0 : i32
    %c0_i32_0 = arith.constant 0 : i32
    return %arg0, %c0_i32 : i32, i32
  }
  func.func @transform_1(%arg0: i32) -> (i32, i32) {
    %c0_i32 = arith.constant 0 : i32
    %c0_i32_0 = arith.constant 0 : i32
    %c0_i32_1 = arith.constant 0 : i32
    return %c0_i32, %c0_i32_0 : i32, i32
  }
  func.func @transform_2(%arg0: i32) -> (i32, i32) {
    %c0_i32 = arith.constant 0 : i32
    %c0_i32_0 = arith.constant 0 : i32
    %c0_i32_1 = arith.constant 0 : i32
    return %c0_i32, %c0_i32_0 : i32, i32
  }
  func.func @transform_3(%arg0: i32) -> (i32, i32) {
    %c0_i32 = arith.constant 0 : i32
    %c0_i32_0 = arith.constant 0 : i32
    %c0_i32_1 = arith.constant 0 : i32
    return %c0_i32, %c0_i32_0 : i32, i32
  }
}

module attributes {stable_mosaic.version = 14 : i64} {
  func.func @_tcb_body(%arg0: i32, %arg1: memref<2000x128xf32, #tpu.memory_space<vmem>>, %arg2: memref<2000x128xf32, #tpu.memory_space<vmem>>, %arg3: memref<128x192xf32, #tpu.memory_space<vmem>>, %arg4: memref<1x192xf32, #tpu.memory_space<vmem>>, %arg5: memref<1x1xf32, #tpu.memory_space<smem>>, %arg6: memref<2000x128xf32, #tpu.memory_space<vmem>>, %arg7: memref<2000x8xf32, #tpu.memory_space<vmem>>) attributes {dimension_semantics = [#tpu.dimension_semantics<arbitrary>], iteration_bounds = array<i64: 5>, scalar_prefetch = 0 : i64, scratch_operands = 0 : i64, tpu.core_type = #tpu.core_type<tc>, window_params = [{transform_indices = @transform_0, window_bounds = array<i64: 2000, 128>}, {transform_indices = @transform_1, window_bounds = array<i64: 2000, 128>}, {pipeline_mode = #tpu.pipeline_mode<synchronous>, transform_indices = @transform_2, window_bounds = array<i64: 128, 192>}, {pipeline_mode = #tpu.pipeline_mode<synchronous>, transform_indices = @transform_3, window_bounds = array<i64: 1, 192>}, {transform_indices = @transform_4, window_bounds = array<i64: 1, 1>}, {transform_indices = @transform_5, window_bounds = array<i64: 2000, 128>}, {transform_indices = @transform_6, window_bounds = array<i64: 2000, 8>}]} {
    %get3A = arith.constant 0 : index
    %get3A_0 = arith.constant 0 : index
    %get3A_1 = vector.load %arg3[%get3A, %get3A_0] : memref<128x192xf32, #tpu.memory_space<vmem>>, vector<128x192xf32>
    %get3A_2 = arith.constant 0 : index
    %get3A_3 = arith.constant 0 : index
    %get3A_4 = vector.load %arg4[%get3A_2, %get3A_3] : memref<1x192xf32, #tpu.memory_space<vmem>>, vector<1x192xf32>
    %get3A_5 = arith.constant 0 : index
    %get3A_6 = arith.constant 0 : index
    %get3A_7 = memref.load %arg5[%get3A_5, %get3A_6] : memref<1x1xf32, #tpu.memory_space<smem>>
    %get3A_8 = arith.constant 0 : index
    %get3A_9 = arith.constant 0 : index
    %get3A_10 = vector.load %arg1[%get3A_8, %get3A_9] : memref<2000x128xf32, #tpu.memory_space<vmem>>, vector<2000x128xf32>
    %dot_general3A = arith.constant dense<0.000000e+00> : vector<2000x192xf32>
    %dot_general3A_11 = tpu.matmul %get3A_10, %get3A_1, %dot_general3A {dimension_numbers = #tpu.dot_dimension_numbers<[1], [0], [0], [1], [0, 0, 1, 1], [], []>, transpose_lhs_hint = false} : vector<2000x128xf32>, vector<128x192xf32>, vector<2000x192xf32> -> vector<2000x192xf32>
    %add3A = vector.broadcast %get3A_4 : vector<1x192xf32> to vector<2000x192xf32>
    %add3A_12 = arith.addf %dot_general3A_11, %add3A : vector<2000x192xf32>
    %slice3A = vector.extract_strided_slice %add3A_12 {offsets = [0, 0], sizes = [2000, 64], strides = [1, 1]} : vector<2000x192xf32> to vector<2000x64xf32>
    %slice3A_13 = vector.extract_strided_slice %add3A_12 {offsets = [0, 64], sizes = [2000, 64], strides = [1, 1]} : vector<2000x192xf32> to vector<2000x64xf32>
    %slice3A_14 = vector.extract_strided_slice %add3A_12 {offsets = [0, 128], sizes = [2000, 64], strides = [1, 1]} : vector<2000x192xf32> to vector<2000x64xf32>
    %mul3A = arith.mulf %slice3A, %slice3A_14 : vector<2000x64xf32>
    %reduce_sum3A = arith.constant dense<0.000000e+00> : vector<2000xf32>
    %reduce_sum3A_15 = vector.multi_reduction <add>, %mul3A, %reduce_sum3A [1] : vector<2000x64xf32> to vector<2000xf32>
    %broadcast_in_dim3A = vector.shape_cast %reduce_sum3A_15 : vector<2000xf32> to vector<2000x1xf32>
    %sub3A = vector.broadcast %get3A_7 : f32 to vector<2000x1xf32>
    %sub3A_16 = arith.subf %broadcast_in_dim3A, %sub3A : vector<2000x1xf32>
    %exp3A = math.exp %sub3A_16 : vector<2000x1xf32>
    %mul3A_17 = vector.broadcast %exp3A : vector<2000x1xf32> to vector<2000x64xf32>
    %mul3A_18 = arith.mulf %slice3A_13, %mul3A_17 : vector<2000x64xf32>
    %get3A_19 = arith.constant 0 : index
    %get3A_20 = arith.constant 0 : index
    %get3A_21 = vector.load %arg2[%get3A_19, %get3A_20] : memref<2000x128xf32, #tpu.memory_space<vmem>>, vector<2000x128xf32>
    %dot_general3A_22 = arith.constant dense<0.000000e+00> : vector<2000x192xf32>
    %dot_general3A_23 = tpu.matmul %get3A_21, %get3A_1, %dot_general3A_22 {dimension_numbers = #tpu.dot_dimension_numbers<[1], [0], [0], [1], [0, 0, 1, 1], [], []>, transpose_lhs_hint = false} : vector<2000x128xf32>, vector<128x192xf32>, vector<2000x192xf32> -> vector<2000x192xf32>
    %add3A_24 = vector.broadcast %get3A_4 : vector<1x192xf32> to vector<2000x192xf32>
    %add3A_25 = arith.addf %dot_general3A_23, %add3A_24 : vector<2000x192xf32>
    %slice3A_26 = vector.extract_strided_slice %add3A_25 {offsets = [0, 0], sizes = [2000, 64], strides = [1, 1]} : vector<2000x192xf32> to vector<2000x64xf32>
    %slice3A_27 = vector.extract_strided_slice %add3A_25 {offsets = [0, 64], sizes = [2000, 64], strides = [1, 1]} : vector<2000x192xf32> to vector<2000x64xf32>
    %slice3A_28 = vector.extract_strided_slice %add3A_25 {offsets = [0, 128], sizes = [2000, 64], strides = [1, 1]} : vector<2000x192xf32> to vector<2000x64xf32>
    %mul3A_29 = arith.mulf %slice3A_26, %slice3A_28 : vector<2000x64xf32>
    %reduce_sum3A_30 = arith.constant dense<0.000000e+00> : vector<2000xf32>
    %reduce_sum3A_31 = vector.multi_reduction <add>, %mul3A_29, %reduce_sum3A_30 [1] : vector<2000x64xf32> to vector<2000xf32>
    %broadcast_in_dim3A_32 = vector.shape_cast %reduce_sum3A_31 : vector<2000xf32> to vector<2000x1xf32>
    %sub3A_33 = vector.broadcast %get3A_7 : f32 to vector<2000x1xf32>
    %sub3A_34 = arith.subf %broadcast_in_dim3A_32, %sub3A_33 : vector<2000x1xf32>
    %exp3A_35 = math.exp %sub3A_34 : vector<2000x1xf32>
    %mul3A_36 = vector.broadcast %exp3A_35 : vector<2000x1xf32> to vector<2000x64xf32>
    %mul3A_37 = arith.mulf %slice3A_27, %mul3A_36 : vector<2000x64xf32>
    %swap3A = arith.constant 0 : index
    %swap3A_38 = arith.constant 0 : index
    %swap3A_39 = vector.load %arg6[%swap3A, %swap3A_38] : memref<2000x128xf32, #tpu.memory_space<vmem>>, vector<2000x64xf32>
    tpu.vector_store %arg6[%swap3A, %swap3A_38], %mul3A_18 {strides = array<i32>} : memref<2000x128xf32, #tpu.memory_space<vmem>>, vector<2000x64xf32>,
    %swap3A_40 = arith.constant 0 : index
    %swap3A_41 = arith.constant 64 : index
    %swap3A_42 = vector.load %arg6[%swap3A_40, %swap3A_41] : memref<2000x128xf32, #tpu.memory_space<vmem>>, vector<2000x64xf32>
    tpu.vector_store %arg6[%swap3A_40, %swap3A_41], %mul3A_37 {strides = array<i32>} : memref<2000x128xf32, #tpu.memory_space<vmem>>, vector<2000x64xf32>,
    %iota3A = tpu.iota {dimensions = array<i32: 1>} : vector<2000x8xi32>
    %eq3A = arith.constant 0 : i32
    %eq3A_43 = vector.broadcast %eq3A : i32 to vector<2000x8xi32>
    %eq3A_44 = arith.cmpi eq, %iota3A, %eq3A_43 : vector<2000x8xi32>
    %jit3A = arith.constant 0.000000e+00 : f32
    %broadcast_in_dim3A_45 = vector.shape_cast %exp3A : vector<2000x1xf32> to vector<2000x1xf32>
    %broadcast_in_dim3A_46 = vector.broadcast %broadcast_in_dim3A_45 : vector<2000x1xf32> to vector<2000x8xf32>
    %broadcast_in_dim3A_47 = vector.broadcast %jit3A : f32 to vector<2000x8xf32>
    %select_n3A = arith.select %eq3A_44, %broadcast_in_dim3A_46, %broadcast_in_dim3A_47 : vector<2000x8xi1>, vector<2000x8xf32>
    %eq3A_48 = arith.constant 1 : i32
    %eq3A_49 = vector.broadcast %eq3A_48 : i32 to vector<2000x8xi32>
    %eq3A_50 = arith.cmpi eq, %iota3A, %eq3A_49 : vector<2000x8xi32>
    %jit3A_51 = arith.constant 0.000000e+00 : f32
    %broadcast_in_dim3A_52 = vector.shape_cast %exp3A_35 : vector<2000x1xf32> to vector<2000x1xf32>
    %broadcast_in_dim3A_53 = vector.broadcast %broadcast_in_dim3A_52 : vector<2000x1xf32> to vector<2000x8xf32>
    %broadcast_in_dim3A_54 = vector.broadcast %jit3A_51 : f32 to vector<2000x8xf32>
    %select_n3A_55 = arith.select %eq3A_50, %broadcast_in_dim3A_53, %broadcast_in_dim3A_54 : vector<2000x8xi1>, vector<2000x8xf32>
    %add3A_56 = arith.addf %select_n3A, %select_n3A_55 : vector<2000x8xf32>
    %swap3A_57 = arith.constant 0 : index
    %swap3A_58 = arith.constant 0 : index
    %swap3A_59 = vector.load %arg7[%swap3A_57, %swap3A_58] : memref<2000x8xf32, #tpu.memory_space<vmem>>, vector<2000x8xf32>
    tpu.vector_store %arg7[%swap3A_57, %swap3A_58], %add3A_56 {strides = array<i32>} : memref<2000x8xf32, #tpu.memory_space<vmem>>, vector<2000x8xf32>,
    return
  }
  func.func @transform_0(%arg0: i32) -> (i32, i32) {
    %c0_i32 = arith.constant 0 : i32
    %c0_i32_0 = arith.constant 0 : i32
    return %arg0, %c0_i32 : i32, i32
  }
  func.func @transform_1(%arg0: i32) -> (i32, i32) {
    %add3A = arith.constant 5 : i32
    %add3A_0 = arith.addi %arg0, %add3A : i32
    %c0_i32 = arith.constant 0 : i32
    %c0_i32_1 = arith.constant 0 : i32
    return %add3A_0, %c0_i32 : i32, i32
  }
  func.func @transform_2(%arg0: i32) -> (i32, i32) {
    %c0_i32 = arith.constant 0 : i32
    %c0_i32_0 = arith.constant 0 : i32
    %c0_i32_1 = arith.constant 0 : i32
    return %c0_i32, %c0_i32_0 : i32, i32
  }
  func.func @transform_3(%arg0: i32) -> (i32, i32) {
    %c0_i32 = arith.constant 0 : i32
    %c0_i32_0 = arith.constant 0 : i32
    %c0_i32_1 = arith.constant 0 : i32
    return %c0_i32, %c0_i32_0 : i32, i32
  }
  func.func @transform_4(%arg0: i32) -> (i32, i32) {
    %c0_i32 = arith.constant 0 : i32
    %c0_i32_0 = arith.constant 0 : i32
    %c0_i32_1 = arith.constant 0 : i32
    return %c0_i32, %c0_i32_0 : i32, i32
  }
  func.func @transform_5(%arg0: i32) -> (i32, i32) {
    %c0_i32 = arith.constant 0 : i32
    %c0_i32_0 = arith.constant 0 : i32
    return %arg0, %c0_i32 : i32, i32
  }
  func.func @transform_6(%arg0: i32) -> (i32, i32) {
    %c0_i32 = arith.constant 0 : i32
    %c0_i32_0 = arith.constant 0 : i32
    return %arg0, %c0_i32 : i32, i32
  }
}

module attributes {stable_mosaic.version = 14 : i64} {
  func.func @_tcc_body(%arg0: i32, %arg1: memref<1x10240x128xf32, #tpu.memory_space<vmem>>, %arg2: memref<1x10240x128xf32, #tpu.memory_space<vmem>>, %arg3: memref<1x10240x8xf32, #tpu.memory_space<vmem>>, %arg4: memref<1x10240x8xf32, #tpu.memory_space<vmem>>, %arg5: memref<1x64xf32, #tpu.memory_space<vmem>>, %arg6: memref<1x64xf32, #tpu.memory_space<vmem>>, %arg7: memref<2x64x10000xf32, #tpu.memory_space<vmem>>) attributes {dimension_semantics = [#tpu.dimension_semantics<arbitrary>], iteration_bounds = array<i64: 1>, scalar_prefetch = 0 : i64, scratch_operands = 0 : i64, tpu.core_type = #tpu.core_type<tc>, window_params = [{transform_indices = @transform_0, window_bounds = array<i64: 1, 10240, 128>}, {transform_indices = @transform_1, window_bounds = array<i64: 1, 10240, 128>}, {transform_indices = @transform_2, window_bounds = array<i64: 1, 10240, 8>}, {transform_indices = @transform_3, window_bounds = array<i64: 1, 10240, 8>}, {pipeline_mode = #tpu.pipeline_mode<synchronous>, transform_indices = @transform_4, window_bounds = array<i64: 1, 64>}, {pipeline_mode = #tpu.pipeline_mode<synchronous>, transform_indices = @transform_5, window_bounds = array<i64: 1, 64>}, {pipeline_mode = #tpu.pipeline_mode<synchronous>, transform_indices = @transform_6, window_bounds = array<i64: 2, 64, 10000>}]} {
    %get3A = arith.constant 0 : index
    %get3A_0 = arith.constant 0 : index
    %get3A_1 = arith.constant 0 : index
    %get3A_2 = vector.load %arg1[%get3A, %get3A_0, %get3A_1] : memref<1x10240x128xf32, #tpu.memory_space<vmem>>, vector<1x10000x128xf32>
    %get3A_3 = vector.shape_cast %get3A_2 : vector<1x10000x128xf32> to vector<10000x128xf32>
    %get3A_4 = arith.constant 0 : index
    %get3A_5 = arith.constant 0 : index
    %get3A_6 = arith.constant 0 : index
    %get3A_7 = vector.load %arg2[%get3A_4, %get3A_5, %get3A_6] : memref<1x10240x128xf32, #tpu.memory_space<vmem>>, vector<1x10000x128xf32>
    %get3A_8 = vector.shape_cast %get3A_7 : vector<1x10000x128xf32> to vector<10000x128xf32>
    %add3A = arith.addf %get3A_3, %get3A_8 : vector<10000x128xf32>
    %get3A_9 = arith.constant 0 : index
    %get3A_10 = arith.constant 0 : index
    %get3A_11 = arith.constant 0 : index
    %get3A_12 = vector.load %arg3[%get3A_9, %get3A_10, %get3A_11] : memref<1x10240x8xf32, #tpu.memory_space<vmem>>, vector<1x10000x8xf32>
    %get3A_13 = vector.shape_cast %get3A_12 : vector<1x10000x8xf32> to vector<10000x8xf32>
    %get3A_14 = arith.constant 0 : index
    %get3A_15 = arith.constant 0 : index
    %get3A_16 = arith.constant 0 : index
    %get3A_17 = vector.load %arg4[%get3A_14, %get3A_15, %get3A_16] : memref<1x10240x8xf32, #tpu.memory_space<vmem>>, vector<1x10000x8xf32>
    %get3A_18 = vector.shape_cast %get3A_17 : vector<1x10000x8xf32> to vector<10000x8xf32>
    %add3A_19 = arith.addf %get3A_13, %get3A_18 : vector<10000x8xf32>
    %get3A_20 = arith.constant 0 : index
    %get3A_21 = arith.constant 0 : index
    %get3A_22 = vector.load %arg5[%get3A_20, %get3A_21] : memref<1x64xf32, #tpu.memory_space<vmem>>, vector<1x64xf32>
    %get3A_23 = arith.constant 0 : index
    %get3A_24 = arith.constant 0 : index
    %get3A_25 = vector.load %arg6[%get3A_23, %get3A_24] : memref<1x64xf32, #tpu.memory_space<vmem>>, vector<1x64xf32>
    %slice3A = vector.extract_strided_slice %add3A {offsets = [0, 0], sizes = [10000, 64], strides = [1, 1]} : vector<10000x128xf32> to vector<10000x64xf32>
    %slice3A_26 = vector.extract_strided_slice %add3A_19 {offsets = [0, 0], sizes = [10000, 1], strides = [1, 1]} : vector<10000x8xf32> to vector<10000x1xf32>
    %gt3A = arith.constant 0.000000e+00 : f32
    %gt3A_27 = vector.broadcast %gt3A : f32 to vector<10000x1xf32>
    %gt3A_28 = arith.cmpf ogt, %slice3A_26, %gt3A_27 : vector<10000x1xf32>
    %jit3A = arith.constant 1.000000e+00 : f32
    %broadcast_in_dim3A = vector.broadcast %jit3A : f32 to vector<10000x1xf32>
    %select_n3A = arith.select %gt3A_28, %slice3A_26, %broadcast_in_dim3A : vector<10000x1xi1>, vector<10000x1xf32>
    %div3A = arith.constant 1.000000e+00 : f32
    %div3A_29 = vector.broadcast %div3A : f32 to vector<10000x1xf32>
    %div3A_30 = arith.divf %div3A_29, %select_n3A : vector<10000x1xf32>
    %mul3A = vector.broadcast %div3A_30 : vector<10000x1xf32> to vector<10000x64xf32>
    %mul3A_31 = arith.mulf %slice3A, %mul3A : vector<10000x64xf32>
    %logistic3A = arith.negf %mul3A_31 : vector<10000x64xf32>
    %logistic3A_32 = math.exp %logistic3A : vector<10000x64xf32>
    %logistic3A_33 = arith.constant 1.000000e+00 : f32
    %logistic3A_34 = vector.broadcast %logistic3A_33 : f32 to vector<10000x64xf32>
    %logistic3A_35 = arith.addf %logistic3A_34, %logistic3A_32 : vector<10000x64xf32>
    %logistic3A_36 = arith.divf %logistic3A_34, %logistic3A_35 : vector<10000x64xf32>
    %mul3A_37 = arith.mulf %mul3A_31, %logistic3A_36 : vector<10000x64xf32>
    %reduce_sum3A = arith.constant dense<0.000000e+00> : vector<10000xf32>
    %reduce_sum3A_38 = vector.multi_reduction <add>, %mul3A_37, %reduce_sum3A [1] : vector<10000x64xf32> to vector<10000xf32>
    %broadcast_in_dim3A_39 = vector.shape_cast %reduce_sum3A_38 : vector<10000xf32> to vector<10000x1xf32>
    %div3A_40 = arith.constant 6.400000e+01 : f32
    %div3A_41 = vector.broadcast %div3A_40 : f32 to vector<10000x1xf32>
    %div3A_42 = arith.divf %broadcast_in_dim3A_39, %div3A_41 : vector<10000x1xf32>
    %sub3A = vector.broadcast %div3A_42 : vector<10000x1xf32> to vector<10000x64xf32>
    %sub3A_43 = arith.subf %mul3A_37, %sub3A : vector<10000x64xf32>
    %mul3A_44 = arith.mulf %sub3A_43, %sub3A_43 : vector<10000x64xf32>
    %reduce_sum3A_45 = arith.constant dense<0.000000e+00> : vector<10000xf32>
    %reduce_sum3A_46 = vector.multi_reduction <add>, %mul3A_44, %reduce_sum3A_45 [1] : vector<10000x64xf32> to vector<10000xf32>
    %broadcast_in_dim3A_47 = vector.shape_cast %reduce_sum3A_46 : vector<10000xf32> to vector<10000x1xf32>
    %div3A_48 = arith.constant 6.400000e+01 : f32
    %div3A_49 = vector.broadcast %div3A_48 : f32 to vector<10000x1xf32>
    %div3A_50 = arith.divf %broadcast_in_dim3A_47, %div3A_49 : vector<10000x1xf32>
    %add3A_51 = arith.constant 9.99999974E-6 : f32
    %add3A_52 = vector.broadcast %add3A_51 : f32 to vector<10000x1xf32>
    %add3A_53 = arith.addf %div3A_50, %add3A_52 : vector<10000x1xf32>
    %rsqrt3A = math.rsqrt %add3A_53 : vector<10000x1xf32>
    %mul3A_54 = vector.broadcast %rsqrt3A : vector<10000x1xf32> to vector<10000x64xf32>
    %mul3A_55 = arith.mulf %sub3A_43, %mul3A_54 : vector<10000x64xf32>
    %mul3A_56 = vector.broadcast %get3A_22 : vector<1x64xf32> to vector<10000x64xf32>
    %mul3A_57 = arith.mulf %mul3A_55, %mul3A_56 : vector<10000x64xf32>
    %add3A_58 = vector.broadcast %get3A_25 : vector<1x64xf32> to vector<10000x64xf32>
    %add3A_59 = arith.addf %mul3A_57, %add3A_58 : vector<10000x64xf32>
    %transpose3A = tpu.transpose %add3A_59, [1, 0] : vector<10000x64xf32> -> vector<64x10000xf32>
    %swap3A = arith.constant 0 : index
    %swap3A_60 = arith.constant 0 : index
    %swap3A_61 = arith.constant 0 : index
    %swap3A_62 = vector.load %arg7[%swap3A, %swap3A_60, %swap3A_61] : memref<2x64x10000xf32, #tpu.memory_space<vmem>>, vector<1x64x10000xf32>
    %swap3A_63 = vector.shape_cast %swap3A_62 : vector<1x64x10000xf32> to vector<64x10000xf32>
    %swap3A_64 = vector.shape_cast %transpose3A : vector<64x10000xf32> to vector<1x64x10000xf32>
    tpu.vector_store %arg7[%swap3A, %swap3A_60, %swap3A_61], %swap3A_64 {strides = array<i32>} : memref<2x64x10000xf32, #tpu.memory_space<vmem>>, vector<1x64x10000xf32>,
    %slice3A_65 = vector.extract_strided_slice %add3A {offsets = [0, 64], sizes = [10000, 64], strides = [1, 1]} : vector<10000x128xf32> to vector<10000x64xf32>
    %slice3A_66 = vector.extract_strided_slice %add3A_19 {offsets = [0, 1], sizes = [10000, 1], strides = [1, 1]} : vector<10000x8xf32> to vector<10000x1xf32>
    %gt3A_67 = arith.constant 0.000000e+00 : f32
    %gt3A_68 = vector.broadcast %gt3A_67 : f32 to vector<10000x1xf32>
    %gt3A_69 = arith.cmpf ogt, %slice3A_66, %gt3A_68 : vector<10000x1xf32>
    %jit3A_70 = arith.constant 1.000000e+00 : f32
    %broadcast_in_dim3A_71 = vector.broadcast %jit3A_70 : f32 to vector<10000x1xf32>
    %select_n3A_72 = arith.select %gt3A_69, %slice3A_66, %broadcast_in_dim3A_71 : vector<10000x1xi1>, vector<10000x1xf32>
    %div3A_73 = arith.constant 1.000000e+00 : f32
    %div3A_74 = vector.broadcast %div3A_73 : f32 to vector<10000x1xf32>
    %div3A_75 = arith.divf %div3A_74, %select_n3A_72 : vector<10000x1xf32>
    %mul3A_76 = vector.broadcast %div3A_75 : vector<10000x1xf32> to vector<10000x64xf32>
    %mul3A_77 = arith.mulf %slice3A_65, %mul3A_76 : vector<10000x64xf32>
    %logistic3A_78 = arith.negf %mul3A_77 : vector<10000x64xf32>
    %logistic3A_79 = math.exp %logistic3A_78 : vector<10000x64xf32>
    %logistic3A_80 = arith.constant 1.000000e+00 : f32
    %logistic3A_81 = vector.broadcast %logistic3A_80 : f32 to vector<10000x64xf32>
    %logistic3A_82 = arith.addf %logistic3A_81, %logistic3A_79 : vector<10000x64xf32>
    %logistic3A_83 = arith.divf %logistic3A_81, %logistic3A_82 : vector<10000x64xf32>
    %mul3A_84 = arith.mulf %mul3A_77, %logistic3A_83 : vector<10000x64xf32>
    %reduce_sum3A_85 = arith.constant dense<0.000000e+00> : vector<10000xf32>
    %reduce_sum3A_86 = vector.multi_reduction <add>, %mul3A_84, %reduce_sum3A_85 [1] : vector<10000x64xf32> to vector<10000xf32>
    %broadcast_in_dim3A_87 = vector.shape_cast %reduce_sum3A_86 : vector<10000xf32> to vector<10000x1xf32>
    %div3A_88 = arith.constant 6.400000e+01 : f32
    %div3A_89 = vector.broadcast %div3A_88 : f32 to vector<10000x1xf32>
    %div3A_90 = arith.divf %broadcast_in_dim3A_87, %div3A_89 : vector<10000x1xf32>
    %sub3A_91 = vector.broadcast %div3A_90 : vector<10000x1xf32> to vector<10000x64xf32>
    %sub3A_92 = arith.subf %mul3A_84, %sub3A_91 : vector<10000x64xf32>
    %mul3A_93 = arith.mulf %sub3A_92, %sub3A_92 : vector<10000x64xf32>
    %reduce_sum3A_94 = arith.constant dense<0.000000e+00> : vector<10000xf32>
    %reduce_sum3A_95 = vector.multi_reduction <add>, %mul3A_93, %reduce_sum3A_94 [1] : vector<10000x64xf32> to vector<10000xf32>
    %broadcast_in_dim3A_96 = vector.shape_cast %reduce_sum3A_95 : vector<10000xf32> to vector<10000x1xf32>
    %div3A_97 = arith.constant 6.400000e+01 : f32
    %div3A_98 = vector.broadcast %div3A_97 : f32 to vector<10000x1xf32>
    %div3A_99 = arith.divf %broadcast_in_dim3A_96, %div3A_98 : vector<10000x1xf32>
    %add3A_100 = arith.constant 9.99999974E-6 : f32
    %add3A_101 = vector.broadcast %add3A_100 : f32 to vector<10000x1xf32>
    %add3A_102 = arith.addf %div3A_99, %add3A_101 : vector<10000x1xf32>
    %rsqrt3A_103 = math.rsqrt %add3A_102 : vector<10000x1xf32>
    %mul3A_104 = vector.broadcast %rsqrt3A_103 : vector<10000x1xf32> to vector<10000x64xf32>
    %mul3A_105 = arith.mulf %sub3A_92, %mul3A_104 : vector<10000x64xf32>
    %mul3A_106 = vector.broadcast %get3A_22 : vector<1x64xf32> to vector<10000x64xf32>
    %mul3A_107 = arith.mulf %mul3A_105, %mul3A_106 : vector<10000x64xf32>
    %add3A_108 = vector.broadcast %get3A_25 : vector<1x64xf32> to vector<10000x64xf32>
    %add3A_109 = arith.addf %mul3A_107, %add3A_108 : vector<10000x64xf32>
    %transpose3A_110 = tpu.transpose %add3A_109, [1, 0] : vector<10000x64xf32> -> vector<64x10000xf32>
    %swap3A_111 = arith.constant 1 : index
    %swap3A_112 = arith.constant 0 : index
    %swap3A_113 = arith.constant 0 : index
    %swap3A_114 = vector.load %arg7[%swap3A_111, %swap3A_112, %swap3A_113] : memref<2x64x10000xf32, #tpu.memory_space<vmem>>, vector<1x64x10000xf32>
    %swap3A_115 = vector.shape_cast %swap3A_114 : vector<1x64x10000xf32> to vector<64x10000xf32>
    %swap3A_116 = vector.shape_cast %transpose3A_110 : vector<64x10000xf32> to vector<1x64x10000xf32>
    tpu.vector_store %arg7[%swap3A_111, %swap3A_112, %swap3A_113], %swap3A_116 {strides = array<i32>} : memref<2x64x10000xf32, #tpu.memory_space<vmem>>, vector<1x64x10000xf32>,
    return
  }
  func.func @transform_0(%arg0: i32) -> (i32, i32, i32) {
    %c0_i32 = arith.constant 0 : i32
    %c0_i32_0 = arith.constant 0 : i32
    %c0_i32_1 = arith.constant 0 : i32
    %c0_i32_2 = arith.constant 0 : i32
    return %c0_i32, %c0_i32_0, %c0_i32_1 : i32, i32, i32
  }
  func.func @transform_1(%arg0: i32) -> (i32, i32, i32) {
    %c1_i32 = arith.constant 1 : i32
    %c0_i32 = arith.constant 0 : i32
    %c0_i32_0 = arith.constant 0 : i32
    %c0_i32_1 = arith.constant 0 : i32
    return %c1_i32, %c0_i32, %c0_i32_0 : i32, i32, i32
  }
  func.func @transform_2(%arg0: i32) -> (i32, i32, i32) {
    %c0_i32 = arith.constant 0 : i32
    %c0_i32_0 = arith.constant 0 : i32
    %c0_i32_1 = arith.constant 0 : i32
    %c0_i32_2 = arith.constant 0 : i32
    return %c0_i32, %c0_i32_0, %c0_i32_1 : i32, i32, i32
  }
  func.func @transform_3(%arg0: i32) -> (i32, i32, i32) {
    %c1_i32 = arith.constant 1 : i32
    %c0_i32 = arith.constant 0 : i32
    %c0_i32_0 = arith.constant 0 : i32
    %c0_i32_1 = arith.constant 0 : i32
    return %c1_i32, %c0_i32, %c0_i32_0 : i32, i32, i32
  }
  func.func @transform_4(%arg0: i32) -> (i32, i32) {
    %c0_i32 = arith.constant 0 : i32
    %c0_i32_0 = arith.constant 0 : i32
    %c0_i32_1 = arith.constant 0 : i32
    return %c0_i32, %c0_i32_0 : i32, i32
  }
  func.func @transform_5(%arg0: i32) -> (i32, i32) {
    %c0_i32 = arith.constant 0 : i32
    %c0_i32_0 = arith.constant 0 : i32
    %c0_i32_1 = arith.constant 0 : i32
    return %c0_i32, %c0_i32_0 : i32, i32
  }
  func.func @transform_6(%arg0: i32) -> (i32, i32, i32) {
    %c0_i32 = arith.constant 0 : i32
    %c0_i32_0 = arith.constant 0 : i32
    %c0_i32_1 = arith.constant 0 : i32
    %c0_i32_2 = arith.constant 0 : i32
    return %c0_i32, %c0_i32_0, %c0_i32_1 : i32, i32, i32
  }
}

</mosaic_0001>

<sc_bundles>
// kernel: kernel.6.cloned.1.call-start
scs
__scs_entry_jumppad:
0x0: {  	(pc) =	sbr.rel $0x88, $3  }
0x1: {  	(tag) =	ssettag $0x0;
	lr =	simm.s32 $0x1  }
0x2: {  	[smem:$0x3F96] =	sst lr;
	_ =	strace $0xD0000000  }
0x3: {  	_ = 	snop  }
0x4: {  	_ = 	snop  }
0x5: {  	_ = 	snop  }
0x6: {  	_ = 	snop  }
0x7: {  	_ = 	snop  }
__scs_overlays_trampoline_lowered:
0x8: {  	[smem:$0x3FA5] =	sst s0  }
0x9: {  	[smem:$0x3FA6] =	sst s1  }
0xa: {  	[smem:$0x3FA7] =	sst s2  }
0xb: {  	[smem:$0x3FA8] =	sst s3  }
0xc: {  	[smem:$0x3FA9] =	sst s4  }
0xd: {  	[smem:$0x3FAA] =	sst s5  }
0xe: {  	[smem:$0x3FAB] =	sst s6  }
0xf: {  	[smem:$0x3FAC] =	sst s7  }
0x10: {  	[smem:$0x3FAD] =	sst s8  }
0x11: {  	[smem:$0x3FAE] =	sst s9;
	s0 =	simm.s32 @!p0 $0x0  }
0x12: {  	s1 =	sld [smem:$0x3F94];
	s0 =	simm.s32 @p0 $0x1  }
0x13: {  	[smem:$0x3FAF] =	sst s0;
	s0 =	simm.s32 @!p1 $0x0  }
0x14: {  	s2 =	sld [smem:$0x3F93];
	s0 =	simm.s32 @p1 $0x1  }
0x15: {  	[smem:$0x3FB0] =	sst s0;
	s0 =	simm.s32 @!p2 $0x0  }
0x16: {  	s3 =	sld [smem:$0x3FDB];
	s0 =	simm.s32 @p2 $0x1  }
0x17: {  	s4 =	simm.s32 $0x1BF5;
	[smem:$0x3FB2] =	sst s0  }
0x18: {  	s0 =	sld [smem:$0x3F95];
	_ =	swait.ge [sflag:s4], $0x0  }
0x19: {  	s7 =	sld [smem:$0x3F96]  }
0x1a: {  	s8 =	sadd.s32 $0xFFFFE003, lr  }
0x1b: {  	s9 =	sadd.s32 $0xFFFFFEF7, lr;
	s5 =	simm.s32 $0xFFFFFFFF;
	p2 =	slt.u32 s8, $0xFFFFF086  }
0x1c: {  	p1 =	slt.u32 s9, $0xF7A;
	s5 =	simm.s32 @!p2 $0x0  }
0x1d: {  	s5 =	simm.s32 @p1 $0x1;
	p0 =	seq.s32 s7, s2  }
0x1e: {  	s7 =	smul.u32 @!p0 $0xF7A, s2;
	p2 =	seq.s32 @!p0 s5, $0x0  }
0x1f: {  	s9 =	smul.u32 $0xF7A, s1;
	s8 =	simm.s32 @!p0 $0x1BF5;
	p2 =	por !p2, p0  }
0x20: {  	[sflag:s8] =	ssyncset.s32 @!p0 $0xFFFFF086;
	s6 =	sadd.s32 @!p0 s3, s7;
	s7 =	simm.s32 @!p0 $0x108  }
0x21: {  	s3 =	sadd.s32 s3, s9;
	s6 =	sadd.s32 @!p0 $0x88, s6;
	s7 =	simm.s32 @p2 $0x1082  }
0x22: {  	[simem:s7], [sflag:s8] =	dma.local @!p0 [hbm:s6], $0xF7A  }
0x23: {  	s9 =	sor.u32 $0xD0000000, s2;
	s6 =	simm.s32 $0x108;
	_ =	swait.ge @!p0 [sflag:s8], $0x0  }
0x24: {  	s3 =	sadd.s32 $0x88, s3;
	s6 =	simm.s32 @!p1 $0x1082;
	[sflag:s4] =	ssyncset.s32 $0xFFFFF086  }
0x25: {  	[simem:s6], [sflag:s4] =	dma.local [hbm:s3], $0xF7A  }
0x26: {  	[smem:$0x3F96] =	sst s1;
	(tag) =	ssettag s2;
	_ =	strace s9  }
0x27: {  	s1 =	sld [smem:$0x3FA6]  }
0x28: {  	s2 =	sld [smem:$0x3FA7]  }
0x29: {  	s4 =	sld [smem:$0x3FA9]  }
0x2a: {  	p0 =	seq.s32 s5, $0x0;
	s5 =	sld [smem:$0x3FAA]  }
0x2b: {  	s6 =	sld [smem:$0x3FAB]  }
0x2c: {  	s7 =	sld [smem:$0x3FAC]  }
0x2d: {  	s3 =	simm.s32 $0x108;
	s8 =	sld [smem:$0x3FAD]  }
0x2e: {  	s3 =	simm.s32 @!p0 $0x1082;
	s9 =	sld [smem:$0x3FAE]  }
0x2f: {  	lr =	sadd.s32 s0, s3;
	s0 =	sld [smem:$0x3FA5]  }
0x30: {  	s3 =	sld [smem:$0x3FA8]  }
0x31: {  	[smem:$0x3FB1] =	sst s10  }
0x32: {  	s10 =	sld [smem:$0x3FAF];
	_ =	sdelay $0x3  }
0x33: {  	p0 =	seq.s32 s10, $0x1;
	s10 =	sld [smem:$0x3FB1];
	_ =	sdelay $0x3  }
0x34: {  	[smem:$0x3FB1] =	sst s10  }
0x35: {  	s10 =	sld [smem:$0x3FB0];
	_ =	sdelay $0x3  }
0x36: {  	p1 =	seq.s32 s10, $0x1;
	s10 =	sld [smem:$0x3FB1];
	_ =	sdelay $0x3  }
0x37: {  	[smem:$0x3FB1] =	sst s10  }
0x38: {  	s10 =	sld [smem:$0x3FB2]  }
0x39: {  	_ = 	snop;
	(pc) =	sbr.ind lr, $3  }
0x3a: {  	_ = 	snop  }
0x3b: {  	_ = 	snop  }
0x3c: {  	p2 =	seq.s32 s10, $0x1;
	s10 =	sld [smem:$0x3FB1]  }
0x3d: {  	_ =	shalt  }
0x3e: {  	_ =	shalt  }
0x3f: {  	_ =	shalt  }
0x40: {  	_ =	shalt  }
0x41: {  	_ =	shalt  }
0x42: {  	_ =	shalt  }
0x43: {  	_ =	shalt  }
0x44: {  	_ =	shalt  }
0x45: {  	_ =	shalt  }
0x46: {  	_ =	shalt  }
0x47: {  	_ =	shalt  }
0x48: {  	_ =	shalt  }
0x49: {  	_ =	shalt  }
0x4a: {  	_ =	shalt  }
0x4b: {  	_ =	shalt  }
0x4c: {  	_ =	shalt  }
0x4d: {  	_ =	shalt  }
0x4e: {  	_ =	shalt  }
0x4f: {  	_ =	shalt  }
0x50: {  	_ =	shalt  }
0x51: {  	_ =	shalt  }
0x52: {  	_ =	shalt  }
0x53: {  	_ =	shalt  }
0x54: {  	_ =	shalt  }
0x55: {  	_ =	shalt  }
0x56: {  	_ =	shalt  }
0x57: {  	_ =	shalt  }
0x58: {  	_ =	shalt  }
0x59: {  	_ =	shalt  }
0x5a: {  	_ =	shalt  }
0x5b: {  	_ =	shalt  }
0x5c: {  	_ =	shalt  }
0x5d: {  	_ =	shalt  }
0x5e: {  	_ =	shalt  }
0x5f: {  	_ =	shalt  }
0x60: {  	_ =	shalt  }
0x61: {  	_ =	shalt  }
0x62: {  	_ =	shalt  }
0x63: {  	_ =	shalt  }
0x64: {  	_ =	shalt  }
0x65: {  	_ =	shalt  }
0x66: {  	_ =	shalt  }
0x67: {  	_ =	shalt  }
0x68: {  	_ =	shalt  }
0x69: {  	_ =	shalt  }
0x6a: {  	_ =	shalt  }
0x6b: {  	_ =	shalt  }
0x6c: {  	_ =	shalt  }
0x6d: {  	_ =	shalt  }
0x6e: {  	_ =	shalt  }
0x6f: {  	_ =	shalt  }
0x70: {  	_ =	shalt  }
0x71: {  	_ =	shalt  }
0x72: {  	_ =	shalt  }
0x73: {  	_ =	shalt  }
0x74: {  	_ =	shalt  }
0x75: {  	_ =	shalt  }
0x76: {  	_ =	shalt  }
0x77: {  	_ =	shalt  }
0x78: {  	_ =	shalt  }
0x79: {  	_ =	shalt  }
0x7a: {  	_ =	shalt  }
0x7b: {  	_ =	shalt  }
0x7c: {  	_ =	shalt  }
0x7d: {  	_ =	shalt  }
0x7e: {  	_ =	shalt  }
0x7f: {  	_ =	shalt  }
0x80: {  	_ =	shalt  }
0x81: {  	_ =	shalt  }
0x82: {  	_ =	shalt  }
0x83: {  	_ =	shalt  }
0x84: {  	_ =	shalt  }
0x85: {  	_ =	shalt  }
0x86: {  	_ =	shalt  }
0x87: {  	_ =	shalt  }
.Lfunc_end0:
.L_simem_size_0:
called_computation_lowered:
.L_overlay_start_0:
0x88: {  	s2 =	sld [smem:$0x3FD9]  }
0x89: {  	s3 =	sld [smem:$0x3FFE];
	_ =	sdelay $0x1  }
0x8a: {  	s1 =	srdreg.scid  }
0x8b: {  	s0 =	sand.u32 $0x1, s1  }
0x8c: {  	s14 =	sshll.u32 s0, $0xA;
	s2 =	sadd.s32 s3, s2  }
0x8d: {  	s2 =	sadd.s32 s2, s14  }
0x8e: {  	[smem:$0x3FBD] =	sst s2  }
0x8f: {  	_ = 	snop  }
0x90: {  	s2 =	sld [smem:$0x3FD0];
	_ =	sdelay $0x1  }
0x91: {  	s15 =	sld [smem:$0x3FC0]  }
0x92: {  	s5 =	simm.s32 $0xA;
	s6 =	simm.s32 $0x10;
	s4 =	sld [smem:$0x3FBF]  }
0x93: {  	[smem:s6], [sflag:s5] =	dma.local [hbm:s2], $0x1  }
0x94: {  	_ =	swait.eq [sflag:s5], $0x1  }
0x95: {  	s16 =	sld [smem:$0x10];
	[sflag:s5] =	ssyncset.done $0x0  }
0x96: {  	s17 =	sld [smem:$0x11];
	[sflag:s5] =	ssyncadd.s32 $0xFFFFFFFF  }
0x97: {  	s18 =	sld [smem:$0x12];
	(tm) =	ssettm $0x1  }
0x98: {  	s7 =	sld [smem:$0x3FFB];
	_ =	sdelay $0x3  }
0x99: {  	_ =	strace s7  }
0x9a: {  	s7 =	sld [smem:$0x3FFC];
	_ =	sdelay $0x3  }
0x9b: {  	_ =	strace s7  }
0x9c: {  	s7 =	sld [smem:$0x3FFD];
	_ =	sdelay $0x3  }
0x9d: {  	_ =	strace s7  }
0x9e: {  	_ =	strace $0x8FFFFFFF  }
0x9f: {  	s19 =	sld [smem:$0x3FDB];
	_ =	sdelay $0x1  }
0xa0: {  	s8 =	simm.s32 $_scs_section_size  }
0xa1: {  	s9 =	simm.s32 $_size__tile_overlayer_lowered;
	s10 =	simm.s32 $_tile_overlayer_lowered  }
0xa2: {  	s22 =	simm.s32 $0x1BFF;
	s21 =	sshll.u32 s10, $0x1;
	s7 =	sadd.s32 s8, s19  }
0xa3: {  	s11 =	simm.s32 $0x0;
	s20 =	sshll.u32 s9, $0x1;
	s9 =	sadd.s32 s21, s7  }
0xa4: {  	[timem:s11], [sflag:s22] =	dma.local [hbm:s9], s20  }
0xa5: {  	_ =	swait.ge [sflag:s22], s20  }
0xa6: {  	s8 =	ssub.s32 $0x0, s20;
	[sflag:s22] =	ssyncset.done $0x0  }
0xa7: {  	[sflag:s22] =	ssyncadd.s32 s8;
	_ =	sdelay $0x1  }
0xa8: {  	s23 =	simm.s32 $0x1B8B  }
0xa9: {  	_ =	swait.ge [sflag:s23], $0x1  }
0xaa: {  	[sflag:s23] =	ssyncset.done $0x0  }
0xab: {  	s25 =	simm.s32 $0x1B8E;
	s24 =	sld [smem:$0x3FFE];
	[sflag:s23] =	ssyncadd.s32 $0xFFFFFFFF  }
0xac: {  	s26 =	simm.s32 $execute0_lowered;
	[smem:$0x3FD2] =	sst s25  }
0xad: {  	s9 =	sshll.u32 s26, $0x1;
	_ =	strace $0x80000046;
	[dreg:$0x1] =	wrdreg $0xFFFFFFFF  }
0xae: {  	s28 =	simm.s32 $_size_execute0_lowered;
	s7 =	sadd.s32 s7, s9;
	[dreg:$0x0] =	wrdreg $0x0  }
0xaf: {  	s9 =	sshll.u32 s28, $0x1;
	[dreg:$0x2] =	wrdreg s7  }
0xb0: {  	[dreg:$0x3] =	wrdreg s9  }
0xb1: {  	[dreg:$0x4] =	wrdreg $0xC0  }
0xb2: {  	_ =	task [dreg:s11], $0x5FFFF  }
0xb3: {  	[dreg:$0x1] =	wrdreg $0xFFFFFFFF  }
0xb4: {  	[dreg:$0x0] =	wrdreg $0x60  }
0xb5: {  	[dreg:$0x2] =	wrdreg s16  }
0xb6: {  	[dreg:$0x3] =	wrdreg s24  }
0xb7: {  	[dreg:$0x4] =	wrdreg s15  }
0xb8: {  	[dreg:$0x5] =	wrdreg s4  }
0xb9: {  	[dreg:$0x6] =	wrdreg s17  }
0xba: {  	[dreg:$0x7] =	wrdreg s18  }
0xbb: {  	[dreg:$0x8] =	wrdreg $0x8B000  }
0xbc: {  	[dreg:$0x9] =	wrdreg $0x1CB000  }
0xbd: {  	[dreg:$0xa] =	wrdreg $0x9  }
0xbe: {  	_ =	task.clear_ibuf [dreg:s11], $0xBFFFF;
	_ =	strace $0x90000046  }
0xbf: {  	s29 =	simm.s32 $0x9;
	_ =	strace $0x80000048  }
0xc0: {  	_ =	swait.ge [sflag:s29], $0x1  }
0xc1: {  	[sflag:s29] =	ssyncadd.s32 $0xFFFFFFFF  }
0xc2: {  	_ =	strace $0x90000048  }
0xc3: {  	_ =	sfence  }
0xc4: {  	s30 =	sld [smem:$0x0];
	_ =	sdelay $0x2  }
0xc5: {  	s31 =	sshll.u32 s1, $0xD;
	s1 =	sshrl.u32 s1, $0x2  }
0xc6: {  	s3 =	sand.u32 $0x4000, s31;
	s1 =	sadd.s32 s1, s30  }
0xc7: {  	s0 =	sor.u32 s3, s0;
	s1 =	sshll.u32 s1, $0x11  }
0xc8: {  	s0 =	sor.u32 s1, s0  }
0xc9: {  	s0 =	sadd.s32 $0x8F2B, s0  }
0xca: {  	[sflag:s0] =	ssyncadd.remote.s32 $0x1  }
0xcb: {  	_ =	sfence.sel $0xFFFF  }
0xcc: {  	[dreg:$0x0] =	wrdreg $0xFFFFFFFF;
	(pc) =	sbr.abs _section_cstart, $3  }
0xcd: {  	[dreg:$0x1] =	wrdreg $0xFFFFFFFF  }
0xce: {  	_ =	task.clear_ibuf [dreg:s11], $0x2FFFF;
	_ =	strace $0x9FFFFFFF  }
0xcf: {  	(tm) =	ssettm $0x7FFFFFFF  }
tec
execute0_lowered:
.L_overlay_start_1:
0x0: {  	(tag) =	ssettag $0x1  }
0x1: {  	s0 =	rddreg [dreg:$0x0]  }
0x2: {  	s1 =	rddreg [dreg:$0x1]  }
0x3: {  	s2 =	rddreg [dreg:$0x2]  }
0x4: {  	s5 =	rddreg [dreg:$0x3]  }
0x5: {  	s6 =	rddreg [dreg:$0x5]  }
0x6: {  	s3 =	rddreg [dreg:$0x6]  }
0x7: {  	s4 =	rddreg [dreg:$0x7];
	s7 =	simm.s32 $0x0  }
0x8: {  	s16 =	srdreg.scid;
	s15 =	stileid.u32;
	s28 =	simm.s32 $0x4  }
0x9: {  	[smem:$0x7FF] =	sst s7;
	s8 =	sand.u32 $0x1, s16;
	s7 =	sadd.s32 $0x1A00, s1  }
0xa: {  	s11 =	sshll.u32 s15, $0x1;
	s9 =	sadd.s32 $0x4200, s1;
	s22 =	smul.u32 $0x14000, s15  }
0xb: {  	s14 =	sshll.u32 s15, $0x6;
	s16 =	smul.u32 $0x1400, s15;
	s23 =	sshll.u32 s15, $0x5  }
0xc: {  	_ =	strace $0x80000047;
	s10 =	smul.u32 $0x28000, s8;
	[dreg:$0x9] =	wrdreg s9  }
0xd: {  	s12 =	ssub.s32 $0x2, s8;
	s9 =	sor.u32 s8, s11;
	s25 =	sadd.s32 s23, s5  }
0xe: {  	s21 =	smul.u32 $0x2800, s8;
	s14 =	sor.u32 $0x1C04, s14;
	[dreg:$0x11] =	wrdreg s25  }
0xf: {  	s17 =	sshrl.u32 s12, $0x1;
	s24 =	sadd.s32 s22, s3;
	[dreg:$0xf] =	wrdreg s14  }
0x10: {  	s13 =	sshll.u32 s9, $0x4;
	s26 =	sadd.s32 s16, s4;
	[dreg:$0xe] =	wrdreg s24  }
0x11: {  	s29 =	sshrl.u32 s22, $0x3;
	s18 =	sadd.s32 s5, s13;
	[dreg:$0x12] =	wrdreg s26  }
0x12: {  	s19 =	sor.u32 $0x200, s13;
	s13 =	sadd.s32 s2, s13;
	[dreg:$0xa] =	wrdreg s18  }
0x13: {  	s1 =	sadd.s32 s10, s1;
	[dreg:$0xb] =	wrdreg s13;
	s20 =	sadd.s32 s5, s19  }
0x14: {  	s10 =	ssub.s32 s12, s17;
	s12 =	sadd.s32 s2, s19;
	[dreg:$0xc] =	wrdreg s20  }
0x15: {  	s30 =	sshrl.u32 s16, $0x3;
	s2 =	sadd.s32 s23, s2;
	[dreg:$0xd] =	wrdreg s12  }
0x16: {  	s6 =	sadd.s32 s6, s21;
	s10 =	smax.u32 s10, $0x1;
	[dreg:$0x10] =	wrdreg s2  }
0x17: {  	s1 =	sadd.s32 $0x4600, s1;
	s31 =	sadd.s32 s30, s6;
	[dreg:$0x13] =	wrdreg s10  }
0x18: {  	s21 =	sshll.u32 s8, $0x4;
	s1 =	sadd.s32 s29, s1;
	[dreg:$0x15] =	wrdreg s31  }
0x19: {  	s19 =	ssub.s32 $0x9C4, s11;
	[dreg:$0x14] =	wrdreg s1;
	s1 =	simm.s32 $0x0  }
.LBB2_1:
0x1a: {  	s2 =	rddreg [dreg:$0xa]  }
0x1b: {  	s25 =	rddreg [dreg:$0xb]  }
0x1c: {  	s26 =	rddreg [dreg:$0xc]  }
0x1d: {  	s5 =	simm.s32 $0x0;
	s10 =	rddreg [dreg:$0xd]  }
0x1e: {  	[tilespmem:s5], [sflag:$0x2] =	stream.linear.gather [hbm4b:s2+s5], $0x80, $0x38;
	[tilespmem:$0x1DF00] =	vst v63  }
0x1f: {  	s6 =	simm.s32 $0x180;
	s11 =	rddreg [dreg:$0xe]  }
0x20: {  	[tilespmem:s6], [sflag:$0x2] =	stream.linear.gather [hbm4b:s25+s5], $0x80, $0x38;
	[tilespmem:$0x1DF00] =	vst v63  }
0x21: {  	s29 =	simm.s32 $0x80;
	s13 =	rddreg [dreg:$0x4];
	s12 =	sshrl.u32 s11, $0x3  }
0x22: {  	[tilespmem:s29], [sflag:$0x2] =	stream.linear.gather [hbm4b:s26+s5], $0x80, $0x38;
	[tilespmem:$0x1DF00] =	vst v63  }
0x23: {  	s8 =	simm.s32 $0x200;
	[dreg:$0x16] =	wrdreg s12  }
0x24: {  	[tilespmem:s8], [sflag:$0x2] =	stream.linear.gather [hbm4b:s10+s5], $0x80, $0x38;
	[tilespmem:$0x1DF00] =	vst v63  }
0x25: {  	[spmem:s12], [sflag:s14] =	dma.local [hbm:s13], $0x2800  }
0x26: {  	_ =	swait.ge [sflag:s28], $0x2800  }
0x27: {  	s15 =	rddreg [dreg:$0x12]  }
0x28: {  	[sflag:s28] =	ssyncset.done $0x0;
	s17 =	rddreg [dreg:$0x9];
	s16 =	sshrl.u32 s15, $0x3  }
0x29: {  	[sflag:s28] =	ssyncadd.s32 $0xFFFFD800;
	[dreg:$0x17] =	wrdreg s16  }
0x2a: {  	[spmem:s16], [sflag:s14] =	dma.local [hbm:s17], $0x280  }
0x2b: {  	_ =	swait.ge [sflag:s28], $0x280  }
0x2c: {  	[sflag:s28] =	ssyncset.done $0x0  }
0x2d: {  	[sflag:s28] =	ssyncadd.s32 $0xFFFFFD80  }
0x2e: {  	s18 =	simm.s32 $0x2;
	[bflag:$0x0] =	sbarrier.arrive $0xFFFF  }
0x2f: {  	_ =	swait.ge [sflag:s18], $0x80  }
0x30: {  	[sflag:s18] =	ssyncset.done $0x0  }
0x31: {  	[sflag:s18] =	ssyncadd.s32 $0xFFFFFF80  }
0x32: {  	_ =	swait.ge [sflag:s18], $0x80  }
0x33: {  	[sflag:s18] =	ssyncset.done $0x0  }
0x34: {  	s20 =	simm.s32 $0x300;
	s22 =	simm.s32 $0x8300;
	[sflag:s18] =	ssyncadd.s32 $0xFFFFFF80  }
0x35: {  	[tilespmem:s20], [sflag:$0x1] =	stream.indirect.gather [hbm4b:s0+s29], $0x80, s5, s29, $0xb8;
	[tilespmem:$0x1DF00] =	vst v63  }
0x36: {  	s23 =	simm.s32 $0x3;
	p0 =	sle.u32 s19, $0x20;
	p1 =	sle.u32 s19, $0x0  }
0x37: {  	[tilespmem:s22], [sflag:$0x1] =	stream.indirect.gather [hbm4b:s7+s29], $0x8, s5, s29, $0xb8;
	[tilespmem:$0x1DF00] =	vst v63  }
0x38: {  	p2 =	por $0x1, $0x1;
	s8 =	simm.s32 @!p0 $0x2;
	s5 =	smul.u32 $0xAB, s23  }
0x39: {  	s13 =	simm.s32 @!p2 $0x3;
	s14 =	sadd.s32 $0x0, s9;
	_ =	swait.ge @!p0 [sflag:s8], $0x80  }
0x3a: {  	s10 =	sadd.s32 $0xFFFFFEAA, s5;
	s11 =	sadd.s32 $0xFFFFFDFF, s5;
	[sflag:s8] =	ssyncset.done @!p0 $0x0  }
0x3b: {  	s12 =	sshrl.u32 s5, $0x9;
	s5 =	sadd.s32 $0xFFFFFF55, s5;
	[sflag:s8] =	ssyncadd.s32 @!p0 $0xFFFFFF80  }
0x3c: {  	s10 =	sshrl.u32 s10, $0x9;
	s11 =	sshrl.u32 s11, $0x9;
	_ =	swait.ge @!p0 [sflag:s8], $0x80  }
0x3d: {  	s5 =	sshrl.u32 s5, $0x9;
	s11 =	sand.u32 $0x7F, s11;
	[sflag:s8] =	ssyncset.done @!p0 $0x0  }
0x3e: {  	s10 =	sand.u32 $0x7F, s10;
	s11 =	smul.u32 $0x3, s11;
	[sflag:s8] =	ssyncadd.s32 @!p0 $0xFFFFFF80  }
0x3f: {  	s5 =	sand.u32 $0x7F, s5;
	s24 =	smul.u32 $0x3, s10;
	_ =	swait.ge @!p2 [sflag:s13], $0x4000  }
0x40: {  	s18 =	sadd.s32 $0x40, s14;
	s5 =	smul.u32 $0x3, s5;
	[sflag:s13] =	ssyncset.done @!p2 $0x0  }
0x41: {  	s8 =	simm.s32 @!p0 $0x80;
	s10 =	ssub.s32 $0x3, s24;
	[sflag:s13] =	ssyncadd.s32 @!p2 $0xFFFFC000  }
0x42: {  	s25 =	ssub.s32 $0x3, s11;
	s26 =	sadd.s32 $0xFFFFFFFE, s10;
	_ =	swait.ge @!p2 [sflag:s13], $0x400  }
0x43: {  	s10 =	simm.s32 @!p0 $0x4300;
	s11 =	sand.u32 $0xFF, s26;
	[sflag:s13] =	ssyncset.done @!p2 $0x0  }
0x44: {  	[sflag:s13] =	ssyncadd.s32 @!p2 $0xFFFFFC00;
	s13 =	sshll.u32 @!p0 s11, $0x7;
	p2 =	por p1, p1  }
0x45: {  	[tilespmem:s10], [sflag:$0x1] =	stream.indirect.gather @!p0 [hbm4b:s0+s8], $0x80, s13, s8, $0xb8;
	[tilespmem:$0x1DF00] =	vst v63  }
0x46: {  	s11 =	simm.s32 @!p0 $0x8700;
	s16 =	simm.s32 @!p2 $0x1;
	p0 =	por p0, p0  }
0x47: {  	[tilespmem:s11], [sflag:$0x1] =	stream.indirect.gather @!p0 [hbm4b:s7+s8], $0x8, s13, s8, $0xb8;
	[tilespmem:$0x1DF00] =	vst v63  }
0x48: {  	s5 =	sxor.u32 $0xFFFFFFFF, s5;
	s17 =	sadd.s32 $0xFFFFFFFD, s25;
	_ =	swait.ge @!p2 [sflag:s16], $0x4000  }
0x49: {  	s5 =	sadd.s32 $0x3, s5;
	s17 =	sand.u32 $0xFF, s17;
	[sflag:s16] =	ssyncset.done @!p2 $0x0  }
0x4a: {  	s5 =	sand.u32 $0xFF, s5;
	s17 =	sshll.u32 @!p1 s17, $0x7;
	[sflag:s16] =	ssyncadd.s32 @!p2 $0xFFFFC000  }
0x4b: {  	p1 =	sgt.u32 s18, $0x9C3;
	s22 =	simm.s32 @!p2 $0x300;
	_ =	swait.ge @!p2 [sflag:s16], $0x400  }
0x4c: {  	s23 =	simm.s32 @!p2 $0x8300;
	[sflag:s16] =	ssyncset.done @!p2 $0x0;
	s2 =	rddreg [dreg:$0x11]  }
0x4d: {  	[sflag:s16] =	ssyncadd.s32 @!p2 $0xFFFFFC00;
	s16 =	sadd.s32 @!p2 $0x180, s17;
	s17 =	simm.s32 @!p2 $0x80  }
0x4e: {  	[spmem:s3] =	stream.indirect.scatter.add.f32 @!p2 [tilespmem:s22], [sflag:$0x3], $0x80, s16, s17, $0xb8;
	[tilespmem:$0x1DF00] =	vst v63  }
0x4f: {  	s25 =	sshll.u32 @!p1 s5, $0x7;
	s30 =	rddreg [dreg:$0x10];
	s22 =	sadd.s32 @!p1 s2, s21  }
0x50: {  	[spmem:s4] =	stream.indirect.scatter.add.f32 @!p2 [tilespmem:s23], [sflag:$0x3], $0x8, s16, s17, $0xb8;
	[tilespmem:$0x1DF00] =	vst v63  }
0x51: {  	s5 =	simm.s32 @!p1 $0x0;
	s18 =	sadd.s32 @!p1 s30, s21;
	s16 =	sadd.s32 @!p1 $0x400, s22  }
0x52: {  	[tilespmem:s25], [sflag:$0x2] =	stream.linear.gather @!p1 [hbm4b:s16+s5], $0x80, $0x38;
	[tilespmem:$0x1DF00] =	vst v63  }
0x53: {  	s17 =	sadd.s32 @!p1 $0x180, s25;
	s22 =	simm.s32 @!p1 $0x2;
	s16 =	sadd.s32 @!p1 $0x400, s18  }
0x54: {  	[tilespmem:s17], [sflag:$0x2] =	stream.linear.gather @!p1 [hbm4b:s16+s5], $0x80, $0x38;
	[tilespmem:$0x1DF00] =	vst v63  }
0x55: {  	s31 =	simm.s32 $0x40;
	_ =	swait.ge @!p1 [sflag:s22], $0x80  }
0x56: {  	s29 =	sand.u32 $0x7F, s12;
	s12 =	simm.s32 $0x80;
	[sflag:s22] =	ssyncset.done @!p1 $0x0  }
0x57: {  	s26 =	sadd.s32 $0x400, s2;
	s5 =	smul.u32 $0x3, s29;
	[sflag:s22] =	ssyncadd.s32 @!p1 $0xFFFFFF80  }
0x58: {  	s23 =	simm.s32 $0x5;
	s16 =	smov.u32 s30;
	_ =	swait.ge @!p1 [sflag:s22], $0x80  }
0x59: {  	s17 =	smov.u32 s2;
	s18 =	ssub.s32 $0x3, s5;
	[sflag:s22] =	ssyncset.done @!p1 $0x0  }
0x5a: {  	s5 =	simm.s32 @!p1 $0x300;
	[sflag:s22] =	ssyncadd.s32 @!p1 $0xFFFFFF80;
	s22 =	simm.s32 @!p2 $0x3  }
.LBB2_2:
0x5b: {  	_ =	swait.ge @!p2 [sflag:s22], $0x4000  }
0x5c: {  	s16 =	sadd.s32 $0x400, s16;
	s24 =	smov.u32 s12;
	s12 =	sadd.s32 $0x40, s12  }
0x5d: {  	s20 =	smul.u32 $0xAB, s23;
	s14 =	sadd.s32 $0x60, s14;
	[sflag:s22] =	ssyncset.done @!p2 $0x0  }
0x5e: {  	s29 =	sadd.s32 $0x20, s31;
	p3 =	sge.u32 s31, s19;
	[sflag:s22] =	ssyncadd.s32 @!p2 $0xFFFFC000  }
0x5f: {  	s6 =	simm.s32 @!p1 $0x8300;
	p4 =	sgt.u32 s14, $0x9C3;
	_ =	swait.ge @!p2 [sflag:s22], $0x400  }
0x60: {  	s2 =	simm.s32 @!p0 $0x1;
	s14 =	sadd.s32 $0xFFFFFEAA, s20;
	[sflag:s22] =	ssyncset.done @!p2 $0x0  }
0x61: {  	s15 =	sadd.s32 $0xFFFFFDFF, s20;
	[sflag:s22] =	ssyncadd.s32 @!p2 $0xFFFFFC00;
	s22 =	simm.s32 @!p1 $0x80  }
0x62: {  	[tilespmem:s5], [sflag:$0x1] =	stream.indirect.gather @!p1 [hbm4b:s0+s22], $0x80, s25, s22, $0xb8;
	[tilespmem:$0x1DF00] =	vst v63  }
0x63: {  	s14 =	sshrl.u32 s14, $0x9;
	s5 =	sshrl.u32 s15, $0x9;
	s15 =	sand.u32 $0xFF, s18  }
0x64: {  	[tilespmem:s6], [sflag:$0x1] =	stream.indirect.gather @!p1 [hbm4b:s7+s22], $0x8, s25, s22, $0xb8;
	[tilespmem:$0x1DF00] =	vst v63  }
0x65: {  	s6 =	sshll.u32 @!p4 s15, $0x7;
	s15 =	sadd.s32 @!p4 s30, s21;
	_ =	swait.ge @!p0 [sflag:s2], $0x4000  }
0x66: {  	s22 =	sadd.s32 @!p4 $0x180, s6;
	s15 =	sadd.s32 @!p4 $0x600, s15;
	[sflag:s2] =	ssyncset.done @!p0 $0x0  }
0x67: {  	s13 =	sadd.s32 @!p0 $0x180, s13;
	s25 =	sand.u32 $0x7F, s14;
	[sflag:s2] =	ssyncadd.s32 @!p0 $0xFFFFC000  }
0x68: {  	s14 =	sshrl.u32 s20, $0x9;
	s30 =	simm.s32 @!p4 $0x0;
	_ =	swait.ge @!p0 [sflag:s2], $0x400  }
0x69: {  	s17 =	sadd.s32 @!p4 s17, s21;
	s5 =	sand.u32 $0x7F, s5;
	[sflag:s2] =	ssyncset.done @!p0 $0x0  }
0x6a: {  	s14 =	sand.u32 $0x7F, s14;
	[sflag:s2] =	ssyncadd.s32 @!p0 $0xFFFFFC00;
	s2 =	sadd.s32 @!p4 $0x600, s17  }
0x6b: {  	[spmem:s3] =	stream.indirect.scatter.add.f32 @!p0 [tilespmem:s10], [sflag:$0x3], $0x80, s13, s8, $0xb8;
	[tilespmem:$0x1DF00] =	vst v63  }
0x6c: {  	p5 =	sge.u32 s29, s19;
	s5 =	smul.u32 $0x3, s5;
	s10 =	sadd.s32 $0xFFFFFF55, s20  }
0x6d: {  	[spmem:s4] =	stream.indirect.scatter.add.f32 @!p0 [tilespmem:s11], [sflag:$0x3], $0x8, s13, s8, $0xb8;
	[tilespmem:$0x1DF00] =	vst v63  }
0x6e: {  	s5 =	ssub.s32 s23, s5;
	s8 =	sshrl.u32 s10, $0x9;
	s10 =	smul.u32 $0x3, s14  }
0x6f: {  	[tilespmem:s6], [sflag:$0x2] =	stream.linear.gather @!p4 [hbm4b:s2+s30], $0x80, $0x38;
	[tilespmem:$0x1DF00] =	vst v63  }
0x70: {  	s2 =	sadd.s32 $0xFFFFFFFD, s5;
	s5 =	sand.u32 $0x7F, s8;
	s18 =	ssub.s32 s23, s10  }
0x71: {  	s14 =	sadd.s32 s31, s9;
	s6 =	simm.s32 @!p5 $0x2;
	s5 =	smul.u32 $0x3, s5  }
0x72: {  	[tilespmem:s22], [sflag:$0x2] =	stream.linear.gather @!p4 [hbm4b:s15+s30], $0x80, $0x38;
	[tilespmem:$0x1DF00] =	vst v63  }
0x73: {  	s11 =	sadd.s32 $0x40, s14;
	s5 =	sxor.u32 $0xFFFFFFFF, s5;
	_ =	swait.ge @!p5 [sflag:s6], $0x80  }
0x74: {  	s2 =	sand.u32 $0xFF, s2;
	s5 =	sadd.s32 s23, s5;
	[sflag:s6] =	ssyncset.done @!p5 $0x0  }
0x75: {  	s13 =	smul.u32 $0x3, s25;
	s2 =	sshll.u32 @!p3 s2, $0x7;
	[sflag:s6] =	ssyncadd.s32 @!p5 $0xFFFFFF80  }
0x76: {  	s8 =	simm.s32 @!p5 $0x80;
	s10 =	simm.s32 @!p5 $0x4300;
	_ =	swait.ge @!p5 [sflag:s6], $0x80  }
0x77: {  	p0 =	seq.s32 s31, $0x0;
	s13 =	ssub.s32 s23, s13;
	[sflag:s6] =	ssyncset.done @!p5 $0x0  }
0x78: {  	s13 =	sadd.s32 $0xFFFFFFFE, s13;
	[sflag:s6] =	ssyncadd.s32 @!p5 $0xFFFFFF80;
	s6 =	simm.s32 @!p0 $0x3  }
0x79: {  	p1 =	sgt.u32 s11, $0x9C3;
	s13 =	sand.u32 $0xFF, s13;
	_ =	swait.ge @!p0 [sflag:s6], $0x4000  }
0x7a: {  	s11 =	sadd.s32 @!p1 s16, s21;
	p4 =	sne.s32 s12, $0xA00;
	[sflag:s6] =	ssyncset.done @!p0 $0x0  }
0x7b: {  	s31 =	smov.u32 s24;
	s30 =	smov.u32 s16;
	[sflag:s6] =	ssyncadd.s32 @!p0 $0xFFFFC000  }
0x7c: {  	s20 =	sadd.s32 @!p1 $0x400, s11;
	s15 =	sadd.s32 @!p1 s26, s21;
	_ =	swait.ge @!p0 [sflag:s6], $0x400  }
0x7d: {  	s17 =	smov.u32 s26;
	s15 =	sadd.s32 @!p1 $0x400, s15;
	[sflag:s6] =	ssyncset.done @!p0 $0x0  }
0x7e: {  	p2 =	por p3, p3;
	s13 =	sshll.u32 @!p5 s13, $0x7;
	[sflag:s6] =	ssyncadd.s32 @!p0 $0xFFFFFC00  }
0x7f: {  	[tilespmem:s10], [sflag:$0x1] =	stream.indirect.gather @!p5 [hbm4b:s0+s8], $0x80, s13, s8, $0xb8;
	[tilespmem:$0x1DF00] =	vst v63  }
0x80: {  	s11 =	simm.s32 @!p5 $0x8700;
	s6 =	simm.s32 @!p2 $0x1;
	p0 =	por p5, p5  }
0x81: {  	[tilespmem:s11], [sflag:$0x1] =	stream.indirect.gather @!p0 [hbm4b:s7+s8], $0x8, s13, s8, $0xb8;
	[tilespmem:$0x1DF00] =	vst v63  }
0x82: {  	_ =	swait.ge @!p2 [sflag:s6], $0x4000  }
0x83: {  	[sflag:s6] =	ssyncset.done @!p2 $0x0  }
0x84: {  	[sflag:s6] =	ssyncadd.s32 @!p2 $0xFFFFC000  }
0x85: {  	s5 =	sand.u32 $0xFF, s5;
	_ =	swait.ge @!p2 [sflag:s6], $0x400  }
0x86: {  	s22 =	simm.s32 @!p2 $0x300;
	[sflag:s6] =	ssyncset.done @!p2 $0x0  }
0x87: {  	s2 =	sadd.s32 @!p2 $0x180, s2;
	[sflag:s6] =	ssyncadd.s32 @!p2 $0xFFFFFC00;
	s6 =	simm.s32 @!p2 $0x80  }
0x88: {  	[spmem:s3] =	stream.indirect.scatter.add.f32 @!p2 [tilespmem:s22], [sflag:$0x3], $0x80, s2, s6, $0xb8;
	[tilespmem:$0x1DF00] =	vst v63  }
0x89: {  	s22 =	simm.s32 @!p2 $0x8300  }
0x8a: {  	[spmem:s4] =	stream.indirect.scatter.add.f32 @!p2 [tilespmem:s22], [sflag:$0x3], $0x8, s2, s6, $0xb8;
	[tilespmem:$0x1DF00] =	vst v63  }
0x8b: {  	s25 =	sshll.u32 @!p1 s5, $0x7;
	s2 =	simm.s32 @!p1 $0x0  }
0x8c: {  	[tilespmem:s25], [sflag:$0x2] =	stream.linear.gather @!p1 [hbm4b:s15+s2], $0x80, $0x38;
	[tilespmem:$0x1DF00] =	vst v63  }
0x8d: {  	s5 =	sadd.s32 @!p1 $0x180, s25;
	s6 =	simm.s32 @!p1 $0x2  }
0x8e: {  	[tilespmem:s5], [sflag:$0x2] =	stream.linear.gather @!p1 [hbm4b:s20+s2], $0x80, $0x38;
	[tilespmem:$0x1DF00] =	vst v63  }
0x8f: {  	_ =	swait.ge @!p1 [sflag:s6], $0x80  }
.Ltmp0:
0x90: {  	[sflag:s6] =	ssyncset.done @!p1 $0x0;
	(pc) =	sbr.rel @p4 .LBB2_2-.Ltmp0, $4  }
0x91: {  	[sflag:s6] =	ssyncadd.s32 @!p1 $0xFFFFFF80  }
0x92: {  	s5 =	simm.s32 @!p1 $0x300;
	_ =	swait.ge @!p1 [sflag:s6], $0x80  }
0x93: {  	s23 =	sadd.s32 $0x2, s23;
	[sflag:s6] =	ssyncset.done @!p1 $0x0  }
0x94: {  	s26 =	sadd.s32 $0x400, s26;
	s22 =	simm.s32 @!p2 $0x3;
	[sflag:s6] =	ssyncadd.s32 @!p1 $0xFFFFFF80  }
0x95: {  	_ =	swait.ge @!p2 [sflag:s22], $0x4000  }
0x96: {  	[sflag:s22] =	ssyncset.done @!p2 $0x0  }
0x97: {  	[sflag:s22] =	ssyncadd.s32 @!p2 $0xFFFFC000  }
0x98: {  	_ =	swait.ge @!p2 [sflag:s22], $0x400  }
0x99: {  	[sflag:s22] =	ssyncset.done @!p2 $0x0  }
0x9a: {  	s2 =	simm.s32 @!p1 $0x80;
	[sflag:s22] =	ssyncadd.s32 @!p2 $0xFFFFFC00  }
0x9b: {  	[tilespmem:s5], [sflag:$0x1] =	stream.indirect.gather @!p1 [hbm4b:s0+s2], $0x80, s25, s2, $0xb8;
	[tilespmem:$0x1DF00] =	vst v63  }
0x9c: {  	s5 =	simm.s32 @!p1 $0x8300  }
0x9d: {  	[tilespmem:s5], [sflag:$0x1] =	stream.indirect.gather @!p1 [hbm4b:s7+s2], $0x8, s25, s2, $0xb8;
	[tilespmem:$0x1DF00] =	vst v63  }
0x9e: {  	s2 =	simm.s32 @!p0 $0x1  }
0x9f: {  	_ =	swait.ge @!p0 [sflag:s2], $0x4000  }
0xa0: {  	[sflag:s2] =	ssyncset.done @!p0 $0x0  }
0xa1: {  	[sflag:s2] =	ssyncadd.s32 @!p0 $0xFFFFC000  }
0xa2: {  	s29 =	sadd.s32 $0x20, s31;
	_ =	swait.ge @!p0 [sflag:s2], $0x400  }
0xa3: {  	s6 =	sand.u32 $0xFF, s18;
	s25 =	sadd.s32 $0x60, s14;
	[sflag:s2] =	ssyncset.done @!p0 $0x0  }
0xa4: {  	s12 =	sadd.s32 @!p0 $0x180, s13;
	p1 =	sgt.u32 s25, $0x9C3;
	[sflag:s2] =	ssyncadd.s32 @!p0 $0xFFFFFC00  }
0xa5: {  	[spmem:s3] =	stream.indirect.scatter.add.f32 @!p0 [tilespmem:s10], [sflag:$0x3], $0x80, s12, s8, $0xb8;
	[tilespmem:$0x1DF00] =	vst v63  }
0xa6: {  	s2 =	sshll.u32 @!p1 s6, $0x7;
	s6 =	sadd.s32 @!p1 s30, s21;
	s10 =	sadd.s32 @!p1 s17, s21  }
0xa7: {  	[spmem:s4] =	stream.indirect.scatter.add.f32 @!p0 [tilespmem:s11], [sflag:$0x3], $0x8, s12, s8, $0xb8;
	[tilespmem:$0x1DF00] =	vst v63  }
0xa8: {  	s10 =	sadd.s32 @!p1 $0x600, s10;
	s8 =	simm.s32 @!p1 $0x0;
	p0 =	sge.u32 s29, s19  }
0xa9: {  	[tilespmem:s2], [sflag:$0x2] =	stream.linear.gather @!p1 [hbm4b:s10+s8], $0x80, $0x38;
	[tilespmem:$0x1DF00] =	vst v63  }
0xaa: {  	s5 =	sadd.s32 @!p1 $0x600, s6;
	s6 =	simm.s32 @!p0 $0x2;
	s2 =	sadd.s32 @!p1 $0x180, s2  }
0xab: {  	[tilespmem:s2], [sflag:$0x2] =	stream.linear.gather @!p1 [hbm4b:s5+s8], $0x80, $0x38;
	[tilespmem:$0x1DF00] =	vst v63  }
0xac: {  	s18 =	sadd.s32 s31, s9;
	s30 =	smul.u32 $0xAB, s23;
	_ =	swait.ge @!p0 [sflag:s6], $0x80  }
0xad: {  	s20 =	sadd.s32 $0x40, s18;
	[sflag:s6] =	ssyncset.done @!p0 $0x0  }
0xae: {  	p2 =	sge.u32 s31, s19;
	s13 =	sadd.s32 $0xFFFFFDFF, s30;
	[sflag:s6] =	ssyncadd.s32 @!p0 $0xFFFFFF80  }
0xaf: {  	s14 =	sadd.s32 $0xFFFFFEAA, s30;
	s15 =	sadd.s32 $0xFFFFFF55, s30;
	_ =	swait.ge @!p0 [sflag:s6], $0x80  }
0xb0: {  	s5 =	sshrl.u32 s14, $0x9;
	p1 =	seq.s32 s31, $0x0;
	[sflag:s6] =	ssyncset.done @!p0 $0x0  }
0xb1: {  	s5 =	sand.u32 $0x7F, s5;
	[sflag:s6] =	ssyncadd.s32 @!p0 $0xFFFFFF80;
	s6 =	simm.s32 @!p1 $0x3  }
0xb2: {  	s11 =	simm.s32 @!p0 $0x4300;
	s5 =	smul.u32 $0x3, s5;
	_ =	swait.ge @!p1 [sflag:s6], $0x4000  }
0xb3: {  	s10 =	simm.s32 @!p0 $0x80;
	s2 =	sshrl.u32 s13, $0x9;
	[sflag:s6] =	ssyncset.done @!p1 $0x0  }
0xb4: {  	s13 =	simm.s32 @!p0 $0x8700;
	s5 =	ssub.s32 s23, s5;
	[sflag:s6] =	ssyncadd.s32 @!p1 $0xFFFFC000  }
0xb5: {  	s2 =	sand.u32 $0x7F, s2;
	s5 =	sadd.s32 $0xFFFFFFFE, s5;
	_ =	swait.ge @!p1 [sflag:s6], $0x400  }
0xb6: {  	s2 =	smul.u32 $0x3, s2;
	s5 =	sand.u32 $0xFF, s5;
	[sflag:s6] =	ssyncset.done @!p1 $0x0  }
0xb7: {  	s12 =	sshll.u32 @!p0 s5, $0x7;
	[sflag:s6] =	ssyncadd.s32 @!p1 $0xFFFFFC00;
	p1 =	por p2, p2  }
0xb8: {  	[tilespmem:s11], [sflag:$0x1] =	stream.indirect.gather @!p0 [hbm4b:s0+s10], $0x80, s12, s10, $0xb8;
	[tilespmem:$0x1DF00] =	vst v63  }
0xb9: {  	s2 =	ssub.s32 s23, s2;
	s5 =	simm.s32 @!p1 $0x1;
	p0 =	por p0, p0  }
0xba: {  	[tilespmem:s13], [sflag:$0x1] =	stream.indirect.gather @!p0 [hbm4b:s7+s10], $0x8, s12, s10, $0xb8;
	[tilespmem:$0x1DF00] =	vst v63  }
0xbb: {  	s17 =	sshrl.u32 s15, $0x9;
	s2 =	sadd.s32 $0xFFFFFFFD, s2;
	_ =	swait.ge @!p1 [sflag:s5], $0x4000  }
0xbc: {  	s2 =	sand.u32 $0xFF, s2;
	s6 =	sand.u32 $0x7F, s17;
	[sflag:s5] =	ssyncset.done @!p1 $0x0  }
0xbd: {  	s2 =	sshll.u32 @!p2 s2, $0x7;
	s6 =	smul.u32 $0x3, s6;
	[sflag:s5] =	ssyncadd.s32 @!p1 $0xFFFFC000  }
0xbe: {  	p2 =	sgt.u32 s20, $0x9C3;
	s15 =	simm.s32 @!p1 $0x300;
	_ =	swait.ge @!p1 [sflag:s5], $0x400  }
0xbf: {  	s2 =	sadd.s32 @!p1 $0x180, s2;
	s6 =	sxor.u32 $0xFFFFFFFF, s6;
	[sflag:s5] =	ssyncset.done @!p1 $0x0  }
0xc0: {  	s6 =	sadd.s32 s23, s6;
	[sflag:s5] =	ssyncadd.s32 @!p1 $0xFFFFFC00;
	s5 =	simm.s32 @!p1 $0x80  }
0xc1: {  	[spmem:s3] =	stream.indirect.scatter.add.f32 @!p1 [tilespmem:s15], [sflag:$0x3], $0x80, s2, s5, $0xb8;
	[tilespmem:$0x1DF00] =	vst v63  }
0xc2: {  	s6 =	sand.u32 $0xFF, s6;
	s15 =	sadd.s32 $0x400, s16;
	s16 =	simm.s32 @!p1 $0x8300  }
0xc3: {  	[spmem:s4] =	stream.indirect.scatter.add.f32 @!p1 [tilespmem:s16], [sflag:$0x3], $0x8, s2, s5, $0xb8;
	[tilespmem:$0x1DF00] =	vst v63  }
0xc4: {  	s6 =	sshll.u32 @!p2 s6, $0x7;
	s5 =	sadd.s32 @!p2 s26, s21  }
0xc5: {  	s2 =	sadd.s32 @!p2 s15, s21;
	s16 =	simm.s32 @!p2 $0x0;
	s5 =	sadd.s32 @!p2 $0x400, s5  }
0xc6: {  	[tilespmem:s6], [sflag:$0x2] =	stream.linear.gather @!p2 [hbm4b:s5+s16], $0x80, $0x38;
	[tilespmem:$0x1DF00] =	vst v63  }
0xc7: {  	s2 =	sadd.s32 @!p2 $0x400, s2;
	s5 =	sadd.s32 @!p2 $0x180, s6  }
0xc8: {  	[tilespmem:s5], [sflag:$0x2] =	stream.linear.gather @!p2 [hbm4b:s2+s16], $0x80, $0x38;
	[tilespmem:$0x1DF00] =	vst v63  }
0xc9: {  	s2 =	simm.s32 @!p2 $0x2  }
0xca: {  	_ =	swait.ge @!p2 [sflag:s2], $0x80  }
0xcb: {  	[sflag:s2] =	ssyncset.done @!p2 $0x0  }
0xcc: {  	[sflag:s2] =	ssyncadd.s32 @!p2 $0xFFFFFF80  }
0xcd: {  	_ =	swait.ge @!p2 [sflag:s2], $0x80  }
0xce: {  	[sflag:s2] =	ssyncset.done @!p2 $0x0  }
0xcf: {  	[sflag:s2] =	ssyncadd.s32 @!p2 $0xFFFFFF80;
	s2 =	simm.s32 @!p1 $0x3  }
0xd0: {  	_ =	swait.ge @!p1 [sflag:s2], $0x4000  }
0xd1: {  	[sflag:s2] =	ssyncset.done @!p1 $0x0  }
0xd2: {  	[sflag:s2] =	ssyncadd.s32 @!p1 $0xFFFFC000  }
0xd3: {  	_ =	swait.ge @!p1 [sflag:s2], $0x400  }
0xd4: {  	[sflag:s2] =	ssyncset.done @!p1 $0x0  }
0xd5: {  	s5 =	simm.s32 @!p2 $0x300;
	[sflag:s2] =	ssyncadd.s32 @!p1 $0xFFFFFC00;
	s2 =	simm.s32 @!p2 $0x80  }
0xd6: {  	[tilespmem:s5], [sflag:$0x1] =	stream.indirect.gather @!p2 [hbm4b:s0+s2], $0x80, s6, s2, $0xb8;
	[tilespmem:$0x1DF00] =	vst v63  }
0xd7: {  	s5 =	simm.s32 @!p2 $0x8300  }
0xd8: {  	[tilespmem:s5], [sflag:$0x1] =	stream.indirect.gather @!p2 [hbm4b:s7+s2], $0x8, s6, s2, $0xb8;
	[tilespmem:$0x1DF00] =	vst v63  }
0xd9: {  	s2 =	simm.s32 @!p0 $0x1  }
0xda: {  	_ =	swait.ge @!p0 [sflag:s2], $0x4000  }
0xdb: {  	[sflag:s2] =	ssyncset.done @!p0 $0x0  }
0xdc: {  	[sflag:s2] =	ssyncadd.s32 @!p0 $0xFFFFC000  }
0xdd: {  	_ =	swait.ge @!p0 [sflag:s2], $0x400  }
0xde: {  	[sflag:s2] =	ssyncset.done @!p0 $0x0  }
0xdf: {  	[sflag:s2] =	ssyncadd.s32 @!p0 $0xFFFFFC00;
	s2 =	sadd.s32 @!p0 $0x180, s12  }
0xe0: {  	[spmem:s3] =	stream.indirect.scatter.add.f32 @!p0 [tilespmem:s11], [sflag:$0x3], $0x80, s2, s10, $0xb8;
	[tilespmem:$0x1DF00] =	vst v63  }
0xe1: {  	s22 =	sshrl.u32 s30, $0x9  }
0xe2: {  	[spmem:s4] =	stream.indirect.scatter.add.f32 @!p0 [tilespmem:s13], [sflag:$0x3], $0x8, s2, s10, $0xb8;
	[tilespmem:$0x1DF00] =	vst v63  }
0xe3: {  	s2 =	sand.u32 $0x7F, s22  }
0xe4: {  	s2 =	smul.u32 $0x3, s2  }
0xe5: {  	s24 =	sadd.s32 $0x60, s18  }
0xe6: {  	p0 =	sgt.u32 s24, $0x9C3;
	s2 =	ssub.s32 s23, s2  }
0xe7: {  	s5 =	sadd.s32 @!p0 s26, s21;
	s2 =	sand.u32 $0xFF, s2  }
0xe8: {  	s6 =	simm.s32 @!p0 $0x0;
	s5 =	sadd.s32 @!p0 $0x600, s5;
	s2 =	sshll.u32 @!p0 s2, $0x7  }
0xe9: {  	[tilespmem:s2], [sflag:$0x2] =	stream.linear.gather @!p0 [hbm4b:s5+s6], $0x80, $0x38;
	[tilespmem:$0x1DF00] =	vst v63  }
0xea: {  	s5 =	sadd.s32 @!p0 s15, s21  }
0xeb: {  	s2 =	sadd.s32 @!p0 $0x180, s2;
	s5 =	sadd.s32 @!p0 $0x600, s5  }
0xec: {  	[tilespmem:s2], [sflag:$0x2] =	stream.linear.gather @!p0 [hbm4b:s5+s6], $0x80, $0x38;
	[tilespmem:$0x1DF00] =	vst v63  }
0xed: {  	[bflag:$0x0] =	sbarrier.arrive $0xFFFF  }
0xee: {  	s14 =	rddreg [dreg:$0xf]  }
0xef: {  	s25 =	rddreg [dreg:$0x14]  }
0xf0: {  	s26 =	rddreg [dreg:$0x16]  }
0xf1: {  	[hbm:s25], [sflag:s14] =	dma.local [spmem:s26], $0x2800  }
0xf2: {  	_ =	swait.ge [sflag:s28], $0x2800  }
0xf3: {  	[sflag:s28] =	ssyncset.done $0x0;
	s29 =	rddreg [dreg:$0x15]  }
0xf4: {  	s30 =	rddreg [dreg:$0x17];
	[sflag:s28] =	ssyncadd.s32 $0xFFFFD800  }
0xf5: {  	[hbm:s29], [sflag:s14] =	dma.local [spmem:s30], $0x280  }
0xf6: {  	_ =	swait.ge [sflag:s28], $0x280  }
0xf7: {  	s1 =	sadd.s32 $0x1, s1;
	s31 =	rddreg [dreg:$0x13]  }
0xf8: {  	p0 =	sne.s32 s1, s31  }
.Ltmp1:
0xf9: {  	_ = 	snop;
	(pc) =	sbr.rel @p0 .LBB2_1-.Ltmp1, $3  }
0xfa: {  	_ =	sdelay $0x1  }
0xfb: {  	[sflag:s28] =	ssyncset.done $0x0  }
0xfc: {  	[sflag:s28] =	ssyncadd.s32 $0xFFFFFD80  }
0xfd: {  	_ =	sfence.sel $0x180000  }
0xfe: {  	[bflag:$0x0] =	sbarrier.arrive $0xFFFF  }
0xff: {  	_ =	strace $0x90000047  }
0x100: {  	s0 =	stileid.u32;
	[bflag:$0x2] =	sbarrier.arrive $0xFFFF  }
0x101: {  	p0 =	sne.s32 s0, $0x0;
	s0 =	rddreg [dreg:$0x8]  }
0x102: {  	s0 =	sadd.s32 @!p0 $0x100000, s0  }
0x103: {  	[sflag:s0] =	ssyncadd.tile.s32 @!p0 $0x1;
	_ =	shalt  }
.Lfunc_end2:
_tile_overlayer_lowered:
.L_overlay_start_2:
0x104: {  	(tag) =	ssettag $0x2  }
0x105: {  	s0 =	rddreg [dreg:$0x0];
	s2 =	stileid.u32  }
0x106: {  	s1 =	rddreg [dreg:$0x1];
	p0 =	sne.s32 s2, $0x0  }
0x107: {  	s3 =	rddreg [dreg:$0x2];
	[bflag:$0x3] =	sbarrier.arrive $0xFFFF;
	s2 =	simm.s32 @!p0 $0x1C04  }
0x108: {  	[timem:s3], [sflag:s2] =	dma.local @!p0 [hbm:s0], s1  }
0x109: {  	s0 =	simm.s32 @!p0 $0x4  }
0x10a: {  	_ =	swait.ge @!p0 [sflag:s0], s1  }
0x10b: {  	s1 =	ssub.s32 @!p0 $0x0, s1;
	[sflag:s0] =	ssyncset.done @!p0 $0x0  }
0x10c: {  	[sflag:s0] =	ssyncadd.s32 @!p0 s1  }
0x10d: {  	[bflag:$0x3] =	sbarrier.arrive $0xFFFF  }
0x10e: {  	_ =	shalt  }

</sc_bundles>
